<compile_context>
chip_gen: v7x
topology: tpu7x:2x2x1
jax: 0.10.2.dev20260603
libtpu: 0.0.44.dev20260713+nightly
codegen_flags: <defaults>
</compile_context>

<pallas_src>
import functools

import jax
import jax.numpy as jnp
from jax import lax
from jax.experimental import pallas as pl
from jax.experimental.pallas import tpu as pltpu
from jax.experimental.pallas import tpu_sc as plsc

_NUM_CORES = 2
_NUM_SUBCORES = 16
_NUM_WORKERS = _NUM_CORES * _NUM_SUBCORES
_LANE = 128
_STAGE = 96
_QUAD = 4


@functools.lru_cache(maxsize=None)
def _make_kernel(b: int, d: int, v: int):
    n_cols = -(-v // _LANE)
    n_cols_alloc = n_cols
    cols_per = -(-n_cols // _NUM_WORKERS)
    n_blocks = -(-cols_per // 16)
    out_rows = b + _NUM_WORKERS
    mesh = plsc.VectorSubcoreMesh(core_axis_name="c", subcore_axis_name="s")

    @functools.partial(
        pl.kernel,
        mesh=mesh,
        out_type=jax.ShapeDtypeStruct((out_rows, _LANE), jnp.float32),
        scratch_types=[
            pltpu.VMEM((b + 16,), jnp.int32),
            pltpu.VMEM((b + 16,), jnp.int32),
            pltpu.VMEM((b + 256,), jnp.int32),
            pltpu.VMEM((1, 32), jnp.int32),
            pltpu.VMEM((2 * d, _QUAD * _LANE), jnp.float32),
            pltpu.VMEM((_STAGE, _LANE), jnp.float32),
            pltpu.VMEM((1, _STAGE), jnp.int32),
            pltpu.SemaphoreType.DMA,
            pltpu.SemaphoreType.DMA,
            pltpu.SemaphoreType.DMA,
        ],
        compiler_params=pltpu.CompilerParams(needs_layout_passes=False,
                                             disable_bounds_checks=True),
    )
    def k(table_hbm, idx_hbm, out_hbm, lab_v, my_pos, bk_pos, starts_v,
          col_v, stage_v, spos_v, sem_a, sem_b, sem_s):
        wid = lax.axis_index("s") * _NUM_CORES + lax.axis_index("c")
        lanes = lax.iota(jnp.int32, 16)
        zeros16 = jnp.zeros((16,), jnp.int32)
        lo_col = wid * cols_per
        hi_col = jnp.minimum(lo_col + cols_per, n_cols)
        n_mine = hi_col - lo_col
        lo_lab = jnp.full((16,), lo_col * _LANE, jnp.int32)
        hi_lab = jnp.full((16,), hi_col * _LANE, jnp.int32)
        trash = jnp.full((16,), b + wid, jnp.int32)
        sent_pos = jnp.full((16,), b, jnp.int32)
        lane0 = lanes == 0
        sems = [sem_a, sem_b]

        pltpu.sync_copy(idx_hbm, lab_v.at[pl.ds(0, b)])
        lab_v[pl.ds(b, 16)] = jnp.full((16,), jnp.int32(0x7f000000), jnp.int32)

        def pf(vi, cnt):
            lv = lab_v[pl.ds(vi * 16, 16)]
            m = jnp.logical_and(lv >= lo_lab, lv < hi_lab)
            plsc.store_compressed(my_pos.at[pl.ds(cnt, 16)],
                                  jnp.full((16,), vi * 16, jnp.int32) + lanes,
                                  mask=m)
            return cnt + plsc.all_reduce_population_count(m)[0]

        cnt = lax.fori_loop(0, b // 16, pf, jnp.int32(0))
        my_pos[pl.ds(cnt, 16)] = sent_pos
        n_vregs = lax.div(cnt + 15, jnp.int32(16))

        def bucket(q, bcnt):
            blo = jnp.full((16,), (lo_col + q * 16) * _LANE, jnp.int32)
            bhi = jnp.full((16,), (lo_col + q * 16 + 16) * _LANE, jnp.int32)
            plsc.store_scatter(starts_v,
                               [zeros16, jnp.full((16,), q, jnp.int32)],
                               jnp.full((16,), bcnt, jnp.int32), mask=lane0)

            def bb(vi, bc):
                pv = my_pos[pl.ds(vi * 16, 16)]
                lv = plsc.load_gather(lab_v, [pv])
                m = jnp.logical_and(lv >= blo, lv < bhi)
                plsc.store_compressed(bk_pos.at[pl.ds(bc, 16)], pv, mask=m)
                return bc + plsc.all_reduce_population_count(m)[0]

            bcnt = lax.fori_loop(0, n_vregs, bb, bcnt)
            bk_pos[pl.ds(bcnt, 16)] = sent_pos
            return lax.bitwise_and(bcnt + 15, jnp.int32(~15))

        bcnt_end = lax.fori_loop(0, n_blocks, bucket, jnp.int32(0))
        plsc.store_scatter(starts_v,
                           [zeros16, jnp.full((16,), n_blocks, jnp.int32)],
                           jnp.full((16,), bcnt_end, jnp.int32), mask=lane0)

        def reset_spos():
            for g in range(_STAGE // 16):
                spos_v[0, pl.ds(g * 16, 16)] = trash

        reset_spos()

        def flush():
            pltpu.async_copy(stage_v, out_hbm.at[spos_v.at[0]], sem_s).wait()
            reset_spos()

        max_start = n_cols_alloc - _QUAD

        def fire(c4, ping):
            off_col = jnp.minimum(lo_col + c4, max_start)
            off = off_col * _LANE
            pltpu.async_copy(
                table_hbm.at[:, pl.ds(pl.multiple_of(off, _LANE),
                                      _QUAD * _LANE)],
                col_v.at[pl.ds(ping * d, d)], sems[ping])

        def drain(ping):
            pltpu.make_async_copy(
                table_hbm.at[:, pl.ds(0, _QUAD * _LANE)],
                col_v.at[pl.ds(ping * d, d)], sems[ping]).wait()

        def extract_hits(m0, vi, ping, off_vec, scnt0):
            def cond(carry):
                m, _ = carry
                return plsc.all_reduce_population_count(m)[0] > 0

            def body(carry):
                m, scnt = carry
                ln = plsc.all_reduce_ffs(m)
                idx16 = jnp.full((16,), vi * 16, jnp.int32) + ln
                pos_s = plsc.load_gather(bk_pos, [idx16])
                lab_s = plsc.load_gather(lab_v, [pos_s])
                col_par = lax.shift_right_logical(lab_s, 7) - off_vec
                l_vec = (lax.bitwise_and(lab_s, jnp.int32(_LANE - 1))
                         + col_par * _LANE)
                row_s = jnp.full((16,), scnt, jnp.int32)
                for g in range(d // 16):
                    d_vec = jnp.full((16,), ping * d + g * 16,
                                     jnp.int32) + lanes
                    val = plsc.load_gather(col_v, [d_vec, l_vec])
                    plsc.store_scatter(stage_v, [row_s, lanes + g * 16], val)
                plsc.store_scatter(spos_v, [zeros16, row_s], pos_s,
                                   mask=lane0)
                m = jnp.logical_and(m, lanes != ln)
                return m, scnt + 1

            _, scnt = lax.while_loop(cond, body, (m0, scnt0))
            return scnt

        n_pairs = lax.div(n_mine + _QUAD - 1, jnp.int32(_QUAD))
        fire(jnp.int32(0), 0)

        def process(kk, ping, scnt):
            drain(ping)
            base = lo_col + kk * _QUAD
            base_vec = jnp.full((16,), base, jnp.int32)
            off_vec = jnp.minimum(base_vec, jnp.int32(max_start))
            q_vec = lax.div(jnp.full((16,), kk * _QUAD, jnp.int32),
                            jnp.int32(16))
            s0 = plsc.load_gather(starts_v, [zeros16, q_vec])[0]
            s1 = plsc.load_gather(starts_v, [zeros16, q_vec + 1])[0]

            def vreg_body(vi, scnt_i):
                full = scnt_i >= _STAGE - 16

                @pl.when(full)
                def _():
                    flush()

                scnt_i = jnp.where(full, jnp.int32(0), scnt_i)
                pv = bk_pos[pl.ds(vi * 16, 16)]
                lv = plsc.load_gather(lab_v, [pv])
                cc = lax.shift_right_logical(lv, 7) - base_vec
                m = jnp.logical_and(cc >= 0, cc < _QUAD)
                pc = plsc.all_reduce_population_count(m)[0]
                return lax.cond(
                    pc > 0,
                    lambda: extract_hits(m, vi, ping, off_vec, scnt_i),
                    lambda: scnt_i)

            return lax.fori_loop(lax.div(s0, jnp.int32(16)),
                                 lax.div(s1, jnp.int32(16)),
                                 vreg_body, scnt)

        def pair_loop(kk2, scnt):
            for ping in (0, 1):
                kk = kk2 * 2 + ping

                @pl.when(kk + 1 < n_pairs)
                def _():
                    fire((kk + 1) * _QUAD, 1 - ping)

                scnt = lax.cond(kk < n_pairs,
                                lambda kk=kk, ping=ping, s=scnt:
                                    process(kk, ping, s),
                                lambda s=scnt: s)
            return scnt

        lax.fori_loop(0, lax.div(n_pairs + 1, jnp.int32(2)), pair_loop,
                      jnp.int32(0))
        pltpu.async_copy(stage_v, out_hbm.at[spos_v.at[0]], sem_s).wait()

    return k


def kernel(labels, embedding_table):
    (b,) = labels.shape
    v, d = embedding_table.shape
    out = _make_kernel(b, d, v)(embedding_table.T, labels.astype(jnp.int32))
    return out[:b, :d]

# --- scband reference (transcript-rebuilt; emitter-appended) ---
"""Pipeline reference for scband-label-embedder-63960652972659 (READ-ONLY COPY).

The authoritative reference and input builder live on the scoring server;
editing this copy changes nothing except your own understanding.
"""

import jax, jax.numpy as jnp
import numpy as np

NUM_CLASSES = 1000000
HIDDEN_SIZE = 64
BATCH = 16384

def setup_inputs(seed: int = 0) -> dict:
    key = jax.random.key(seed)
    k1, k2 = jax.random.split(key)
    labels = jax.random.randint(k1, (BATCH,), 0, NUM_CLASSES, dtype=jnp.int64 if jax.config.jax_enable_x64 else jnp.int32)
    # embedding table has num_classes + 1 rows (extra row for dropout class)
    embedding_table = jax.random.normal(k2, (NUM_CLASSES + 1, HIDDEN_SIZE), dtype=jnp.float32)
    return {"labels": labels, "embedding_table": embedding_table}

def reference(labels, embedding_table):
    # train=False path: no classifier-free-guidance dropout, plain embedding lookup
    return jnp.take(embedding_table, labels, axis=0)

if __name__ == "__main__":
    import jax
    _d = setup_inputs()
    print(jax.jit(kernel)(*tuple(_d.values())))

</pallas_src>

<mosaic_0001>
#map = affine_map<(d0, d1) -> (0, 0)>
#map1 = affine_map<(d0, d1) -> (0)>
module attributes {stable_mosaic.version = 14 : i64} {
  func.func @k(%arg0: i32, %arg1: i32, %arg2: memref<64x1000001xf32, #tpu.memory_space<hbm>>, %arg3: memref<16384xi32, #tpu.memory_space<hbm>>, %arg4: memref<16416x128xf32, #tpu.memory_space<hbm>>, %arg5: memref<16400xi32, #tpu.memory_space<vmem>>, %arg6: memref<16400xi32, #tpu.memory_space<vmem>>, %arg7: memref<16640xi32, #tpu.memory_space<vmem>>, %arg8: memref<1x32xi32, #tpu.memory_space<vmem>>, %arg9: memref<128x512xf32, #tpu.memory_space<vmem>>, %arg10: memref<96x128xf32, #tpu.memory_space<vmem>>, %arg11: memref<1x96xi32, #tpu.memory_space<vmem>>, %arg12: memref<!tpu.dma_semaphore, #tpu.memory_space<semaphore_mem>>, %arg13: memref<!tpu.dma_semaphore, #tpu.memory_space<semaphore_mem>>, %arg14: memref<!tpu.dma_semaphore, #tpu.memory_space<semaphore_mem>>) attributes {dimension_semantics = [#tpu.dimension_semantics<core_parallel>, #tpu.dimension_semantics<subcore_parallel>], iteration_bounds = array<i64: 2, 16>, scalar_prefetch = 0 : i64, scratch_operands = 10 : i64, tpu.core_type = #tpu.core_type<sc_vector_subcore>, window_params = [{transform_indices = #map}, {transform_indices = #map1}, {transform_indices = #map}]} {
    %mul3A = arith.constant 2 : i32
    %mul3A_0 = arith.muli %arg1, %mul3A : i32
    %add3A = arith.addi %mul3A_0, %arg0 : i32
    %iota3A = tpu.iota {dimensions = array<i32: 0>} : vector<16xi32>
    %broadcast_in_dim3A = arith.constant 0 : i32
    %broadcast_in_dim3A_1 = vector.broadcast %broadcast_in_dim3A : i32 to vector<16xi32>
    %mul3A_2 = arith.constant 245 : i32
    %mul3A_3 = arith.muli %add3A, %mul3A_2 : i32
    %add3A_4 = arith.constant 245 : i32
    %add3A_5 = arith.addi %mul3A_3, %add3A_4 : i32
    %min3A = arith.constant 7813 : i32
    %min3A_6 = arith.minsi %add3A_5, %min3A : i32
    %sub3A = arith.subi %min3A_6, %mul3A_3 : i32
    %mul3A_7 = arith.constant 128 : i32
    %mul3A_8 = arith.muli %mul3A_3, %mul3A_7 : i32
    %broadcast_in_dim3A_9 = vector.broadcast %mul3A_8 : i32 to vector<16xi32>
    %mul3A_10 = arith.constant 128 : i32
    %mul3A_11 = arith.muli %min3A_6, %mul3A_10 : i32
    %broadcast_in_dim3A_12 = vector.broadcast %mul3A_11 : i32 to vector<16xi32>
    %add3A_13 = arith.constant 16384 : i32
    %add3A_14 = arith.addi %add3A_13, %add3A : i32
    %broadcast_in_dim3A_15 = vector.broadcast %add3A_14 : i32 to vector<16xi32>
    %broadcast_in_dim3A_16 = arith.constant 16384 : i32
    %broadcast_in_dim3A_17 = vector.broadcast %broadcast_in_dim3A_16 : i32 to vector<16xi32>
    %eq3A = arith.constant 0 : i32
    %eq3A_18 = vector.broadcast %eq3A : i32 to vector<16xi32>
    %eq3A_19 = arith.cmpi eq, %iota3A, %eq3A_18 : vector<16xi32>
    "tpu.region"() ({
      %run_scoped3A = tpu.sem_alloc : memref<!tpu.dma_semaphore, #tpu.memory_space<semaphore_mem>>
      %dma_start3A_117 = arith.constant 0 : i32
      %dma_start3A_118 = tpu.memref_slice %arg5[%dma_start3A_117] : memref<16400xi32, #tpu.memory_space<vmem>> -> memref<16384xi32, #tpu.memory_space<vmem>>
      %dma_start3A_119 = arith.constant 0 : i32
      %dma_start3A_120 = tpu.memref_slice %arg5[%dma_start3A_119] : memref<16400xi32, #tpu.memory_space<vmem>> -> memref<16384xi32, #tpu.memory_space<vmem>>
      tpu.enqueue_dma source(%arg3 : memref<16384xi32, #tpu.memory_space<hbm>>) target(%dma_start3A_120 : memref<16384xi32, #tpu.memory_space<vmem>>) target_semaphore(%run_scoped3A : memref<!tpu.dma_semaphore, #tpu.memory_space<semaphore_mem>>)
      %dma_wait3A_121 = arith.constant 0 : i32
      %dma_wait3A_122 = tpu.memref_slice %arg5[%dma_wait3A_121] : memref<16400xi32, #tpu.memory_space<vmem>> -> memref<16384xi32, #tpu.memory_space<vmem>>
      %dma_wait3A_123 = arith.constant 0 : i32
      %dma_wait3A_124 = tpu.memref_slice %arg5[%dma_wait3A_123] : memref<16400xi32, #tpu.memory_space<vmem>> -> memref<16384xi32, #tpu.memory_space<vmem>>
      tpu.wait_dma2 semaphore(%run_scoped3A : memref<!tpu.dma_semaphore, #tpu.memory_space<semaphore_mem>>) src(%arg3 : memref<16384xi32, #tpu.memory_space<hbm>>) dst(%dma_wait3A_124 : memref<16384xi32, #tpu.memory_space<vmem>>)
      tpu.yield
    }) : () -> ()
    %broadcast_in_dim3A_20 = arith.constant 2130706432 : i32
    %broadcast_in_dim3A_21 = vector.broadcast %broadcast_in_dim3A_20 : i32 to vector<16xi32>
    %swap3A = arith.constant 16384 : index
    %swap3A_22 = tpu.vector_load %arg5[%swap3A] {strides = array<i32>} : memref<16400xi32, #tpu.memory_space<vmem>>, vector<16xi32>,
    tpu.vector_store %arg5[%swap3A], %broadcast_in_dim3A_21 {strides = array<i32>} : memref<16400xi32, #tpu.memory_space<vmem>>, vector<16xi32>,
    %scan3A = arith.constant 0 : i32
    %scan3A_23 = arith.constant 0 : i32
    %scan3A_24 = arith.constant 1024 : i32
    %scan3A_25 = arith.addi %scan3A_23, %scan3A_24 : i32
    %scan3A_26 = arith.constant 1 : i32
    %scan3A_27 = scf.for %scan3A_117 = %scan3A_23 to %scan3A_25 step %scan3A_26 iter_args(%scan3A_118 = %scan3A) -> (i32)  : i32 {
      %mul3A_119 = arith.constant 16 : i32
      %mul3A_120 = arith.muli %scan3A_117, %mul3A_119 : i32
      %get3A = arith.index_cast %mul3A_120 : i32 to index
      %get3A_121 = tpu.vector_load %arg5[%get3A] {strides = array<i32>} : memref<16400xi32, #tpu.memory_space<vmem>>, vector<16xi32>,
      %ge3A = arith.cmpi sge, %get3A_121, %broadcast_in_dim3A_9 : vector<16xi32>
      %lt3A = arith.cmpi slt, %get3A_121, %broadcast_in_dim3A_12 : vector<16xi32>
      %and3A = arith.andi %ge3A, %lt3A : vector<16xi1>
      %mul3A_122 = arith.constant 16 : i32
      %mul3A_123 = arith.muli %scan3A_117, %mul3A_122 : i32
      %broadcast_in_dim3A_124 = vector.broadcast %mul3A_123 : i32 to vector<16xi32>
      %add3A_125 = arith.addi %broadcast_in_dim3A_124, %iota3A : vector<16xi32>
      %swap3A_126 = arith.index_cast %scan3A_118 : i32 to index
      %swap3A_127 = tpu.vector_load %arg6[%swap3A_126] masked %and3A {strides = array<i32>} : memref<16400xi32, #tpu.memory_space<vmem>>, vector<16xi32>, vector<16xi1>
      tpu.vector_store %arg6[%swap3A_126], %add3A_125 masked %and3A {strides = array<i32>} : memref<16400xi32, #tpu.memory_space<vmem>>, vector<16xi32>, vector<16xi1>
      %all_reduce_population_count3A = tpu.all_reduce %and3A {dim = 0 : i64, kind = #tpu.reduction_kind<sum>} : vector<16xi1> -> vector<16xi32>
      %slice3A = vector.extract_strided_slice %all_reduce_population_count3A {offsets = [0], sizes = [1], strides = [1]} : vector<16xi32> to vector<1xi32>
      %squeeze3A = vector.extract %slice3A[0] : i32 from vector<1xi32>
      %add3A_128 = arith.addi %scan3A_118, %squeeze3A : i32
      scf.yield %add3A_128 : i32
    }
    %scan3A_28 = arith.constant 1024 : i32
    %swap3A_29 = arith.index_cast %scan3A_27 : i32 to index
    %swap3A_30 = tpu.vector_load %arg6[%swap3A_29] {strides = array<i32>} : memref<16400xi32, #tpu.memory_space<vmem>>, vector<16xi32>,
    tpu.vector_store %arg6[%swap3A_29], %broadcast_in_dim3A_17 {strides = array<i32>} : memref<16400xi32, #tpu.memory_space<vmem>>, vector<16xi32>,
    %add3A_31 = arith.constant 15 : i32
    %add3A_32 = arith.addi %scan3A_27, %add3A_31 : i32
    %div3A = arith.constant 16 : i32
    %div3A_33 = arith.divsi %add3A_32, %div3A : i32
    %scan3A_34 = arith.constant 0 : i32
    %scan3A_35 = arith.constant 0 : i32
    %scan3A_36 = arith.constant 16 : i32
    %scan3A_37 = arith.addi %scan3A_35, %scan3A_36 : i32
    %scan3A_38 = arith.constant 1 : i32
    %scan3A_39 = scf.for %scan3A_117 = %scan3A_35 to %scan3A_37 step %scan3A_38 iter_args(%scan3A_118 = %scan3A_34) -> (i32)  : i32 {
      %mul3A_119 = arith.constant 16 : i32
      %mul3A_120 = arith.muli %scan3A_117, %mul3A_119 : i32
      %add3A_121 = arith.addi %mul3A_3, %mul3A_120 : i32
      %mul3A_122 = arith.constant 128 : i32
      %mul3A_123 = arith.muli %add3A_121, %mul3A_122 : i32
      %broadcast_in_dim3A_124 = vector.broadcast %mul3A_123 : i32 to vector<16xi32>
      %mul3A_125 = arith.constant 16 : i32
      %mul3A_126 = arith.muli %scan3A_117, %mul3A_125 : i32
      %add3A_127 = arith.addi %mul3A_3, %mul3A_126 : i32
      %add3A_128 = arith.constant 16 : i32
      %add3A_129 = arith.addi %add3A_127, %add3A_128 : i32
      %mul3A_130 = arith.constant 128 : i32
      %mul3A_131 = arith.muli %add3A_129, %mul3A_130 : i32
      %broadcast_in_dim3A_132 = vector.broadcast %mul3A_131 : i32 to vector<16xi32>
      %broadcast_in_dim3A_133 = vector.broadcast %scan3A_117 : i32 to vector<16xi32>
      %broadcast_in_dim3A_134 = vector.broadcast %scan3A_118 : i32 to vector<16xi32>
      tpu.vector_store_idx %arg8[%broadcast_in_dim3A_1, %broadcast_in_dim3A_133], %broadcast_in_dim3A_134 masked %eq3A_19 : memref<1x32xi32, #tpu.memory_space<vmem>>[vector<16xi32>, vector<16xi32>], vector<16xi32>, vector<16xi1>
      %while3A_135 = arith.constant 0 : i32
      %while3A_136 = arith.subi %div3A_33, %while3A_135 : i32
      %while3A_137 = arith.addi %while3A_135, %while3A_136 : i32
      %while3A_138 = arith.constant 1 : i32
      %while3A_139 = arith.divsi %while3A_136, %while3A_138 : i32
      %while3A_140 = arith.muli %while3A_139, %while3A_138 : i32
      %while3A_141 = arith.addi %while3A_135, %while3A_140 : i32
      %while3A_142 = arith.constant 1 : i32
      %while3A_143 = scf.for %while3A_151 = %while3A_135 to %while3A_141 step %while3A_142 iter_args(%while3A_152 = %scan3A_118) -> (i32)  : i32 {
        %mul3A_153 = arith.constant 16 : i32
        %mul3A_154 = arith.muli %while3A_151, %mul3A_153 : i32
        %get3A = arith.index_cast %mul3A_154 : i32 to index
        %get3A_155 = tpu.vector_load %arg6[%get3A] {strides = array<i32>} : memref<16400xi32, #tpu.memory_space<vmem>>, vector<16xi32>,
        %gather3A = tpu.vector_load_idx %arg5[%get3A_155] : memref<16400xi32, #tpu.memory_space<vmem>>[vector<16xi32>], vector<16xi32>,
        %ge3A = arith.cmpi sge, %gather3A, %broadcast_in_dim3A_124 : vector<16xi32>
        %lt3A = arith.cmpi slt, %gather3A, %broadcast_in_dim3A_132 : vector<16xi32>
        %and3A_156 = arith.andi %ge3A, %lt3A : vector<16xi1>
        %swap3A_157 = arith.index_cast %while3A_152 : i32 to index
        %swap3A_158 = tpu.vector_load %arg7[%swap3A_157] masked %and3A_156 {strides = array<i32>} : memref<16640xi32, #tpu.memory_space<vmem>>, vector<16xi32>, vector<16xi1>
        tpu.vector_store %arg7[%swap3A_157], %get3A_155 masked %and3A_156 {strides = array<i32>} : memref<16640xi32, #tpu.memory_space<vmem>>, vector<16xi32>, vector<16xi1>
        %all_reduce_population_count3A = tpu.all_reduce %and3A_156 {dim = 0 : i64, kind = #tpu.reduction_kind<sum>} : vector<16xi1> -> vector<16xi32>
        %slice3A = vector.extract_strided_slice %all_reduce_population_count3A {offsets = [0], sizes = [1], strides = [1]} : vector<16xi32> to vector<1xi32>
        %squeeze3A = vector.extract %slice3A[0] : i32 from vector<1xi32>
        %add3A_159 = arith.addi %while3A_152, %squeeze3A : i32
        scf.yield %add3A_159 : i32
      }
      %while3A_144 = arith.constant 1 : i32
      %while3A_145 = scf.for %while3A_151 = %while3A_141 to %while3A_137 step %while3A_144 iter_args(%while3A_152 = %while3A_143) -> (i32)  : i32 {
        %mul3A_153 = arith.constant 16 : i32
        %mul3A_154 = arith.muli %while3A_151, %mul3A_153 : i32
        %get3A = arith.index_cast %mul3A_154 : i32 to index
        %get3A_155 = tpu.vector_load %arg6[%get3A] {strides = array<i32>} : memref<16400xi32, #tpu.memory_space<vmem>>, vector<16xi32>,
        %gather3A = tpu.vector_load_idx %arg5[%get3A_155] : memref<16400xi32, #tpu.memory_space<vmem>>[vector<16xi32>], vector<16xi32>,
        %ge3A = arith.cmpi sge, %gather3A, %broadcast_in_dim3A_124 : vector<16xi32>
        %lt3A = arith.cmpi slt, %gather3A, %broadcast_in_dim3A_132 : vector<16xi32>
        %and3A_156 = arith.andi %ge3A, %lt3A : vector<16xi1>
        %swap3A_157 = arith.index_cast %while3A_152 : i32 to index
        %swap3A_158 = tpu.vector_load %arg7[%swap3A_157] masked %and3A_156 {strides = array<i32>} : memref<16640xi32, #tpu.memory_space<vmem>>, vector<16xi32>, vector<16xi1>
        tpu.vector_store %arg7[%swap3A_157], %get3A_155 masked %and3A_156 {strides = array<i32>} : memref<16640xi32, #tpu.memory_space<vmem>>, vector<16xi32>, vector<16xi1>
        %all_reduce_population_count3A = tpu.all_reduce %and3A_156 {dim = 0 : i64, kind = #tpu.reduction_kind<sum>} : vector<16xi1> -> vector<16xi32>
        %slice3A = vector.extract_strided_slice %all_reduce_population_count3A {offsets = [0], sizes = [1], strides = [1]} : vector<16xi32> to vector<1xi32>
        %squeeze3A = vector.extract %slice3A[0] : i32 from vector<1xi32>
        %add3A_159 = arith.addi %while3A_152, %squeeze3A : i32
        scf.yield %add3A_159 : i32
      }
      %swap3A_146 = arith.index_cast %while3A_145 : i32 to index
      %swap3A_147 = tpu.vector_load %arg7[%swap3A_146] {strides = array<i32>} : memref<16640xi32, #tpu.memory_space<vmem>>, vector<16xi32>,
      tpu.vector_store %arg7[%swap3A_146], %broadcast_in_dim3A_17 {strides = array<i32>} : memref<16640xi32, #tpu.memory_space<vmem>>, vector<16xi32>,
      %add3A_148 = arith.constant 15 : i32
      %add3A_149 = arith.addi %while3A_145, %add3A_148 : i32
      %and3A = arith.constant -16 : i32
      %and3A_150 = arith.andi %add3A_149, %and3A : i32
      scf.yield %and3A_150 : i32
    }
    %scan3A_40 = arith.constant 16 : i32
    %broadcast_in_dim3A_41 = arith.constant 16 : i32
    %broadcast_in_dim3A_42 = vector.broadcast %broadcast_in_dim3A_41 : i32 to vector<16xi32>
    %broadcast_in_dim3A_43 = vector.broadcast %scan3A_39 : i32 to vector<16xi32>
    tpu.vector_store_idx %arg8[%broadcast_in_dim3A_1, %broadcast_in_dim3A_42], %broadcast_in_dim3A_43 masked %eq3A_19 : memref<1x32xi32, #tpu.memory_space<vmem>>[vector<16xi32>, vector<16xi32>], vector<16xi32>, vector<16xi1>
    %swap3A_44 = arith.constant 0 : i32
    %swap3A_45 = arith.index_cast %swap3A_44 : i32 to index
    %swap3A_46 = arith.constant 0 : index
    %swap3A_47 = tpu.vector_load %arg11[%swap3A_45, %swap3A_46] {strides = array<i32>} : memref<1x96xi32, #tpu.memory_space<vmem>>, vector<16xi32>,
    tpu.vector_store %arg11[%swap3A_45, %swap3A_46], %broadcast_in_dim3A_15 {strides = array<i32>} : memref<1x96xi32, #tpu.memory_space<vmem>>, vector<16xi32>,
    %swap3A_48 = arith.constant 0 : i32
    %swap3A_49 = arith.index_cast %swap3A_48 : i32 to index
    %swap3A_50 = arith.constant 16 : index
    %swap3A_51 = tpu.vector_load %arg11[%swap3A_49, %swap3A_50] {strides = array<i32>} : memref<1x96xi32, #tpu.memory_space<vmem>>, vector<16xi32>,
    tpu.vector_store %arg11[%swap3A_49, %swap3A_50], %broadcast_in_dim3A_15 {strides = array<i32>} : memref<1x96xi32, #tpu.memory_space<vmem>>, vector<16xi32>,
    %swap3A_52 = arith.constant 0 : i32
    %swap3A_53 = arith.index_cast %swap3A_52 : i32 to index
    %swap3A_54 = arith.constant 32 : index
    %swap3A_55 = tpu.vector_load %arg11[%swap3A_53, %swap3A_54] {strides = array<i32>} : memref<1x96xi32, #tpu.memory_space<vmem>>, vector<16xi32>,
    tpu.vector_store %arg11[%swap3A_53, %swap3A_54], %broadcast_in_dim3A_15 {strides = array<i32>} : memref<1x96xi32, #tpu.memory_space<vmem>>, vector<16xi32>,
    %swap3A_56 = arith.constant 0 : i32
    %swap3A_57 = arith.index_cast %swap3A_56 : i32 to index
    %swap3A_58 = arith.constant 48 : index
    %swap3A_59 = tpu.vector_load %arg11[%swap3A_57, %swap3A_58] {strides = array<i32>} : memref<1x96xi32, #tpu.memory_space<vmem>>, vector<16xi32>,
    tpu.vector_store %arg11[%swap3A_57, %swap3A_58], %broadcast_in_dim3A_15 {strides = array<i32>} : memref<1x96xi32, #tpu.memory_space<vmem>>, vector<16xi32>,
    %swap3A_60 = arith.constant 0 : i32
    %swap3A_61 = arith.index_cast %swap3A_60 : i32 to index
    %swap3A_62 = arith.constant 64 : index
    %swap3A_63 = tpu.vector_load %arg11[%swap3A_61, %swap3A_62] {strides = array<i32>} : memref<1x96xi32, #tpu.memory_space<vmem>>, vector<16xi32>,
    tpu.vector_store %arg11[%swap3A_61, %swap3A_62], %broadcast_in_dim3A_15 {strides = array<i32>} : memref<1x96xi32, #tpu.memory_space<vmem>>, vector<16xi32>,
    %swap3A_64 = arith.constant 0 : i32
    %swap3A_65 = arith.index_cast %swap3A_64 : i32 to index
    %swap3A_66 = arith.constant 80 : index
    %swap3A_67 = tpu.vector_load %arg11[%swap3A_65, %swap3A_66] {strides = array<i32>} : memref<1x96xi32, #tpu.memory_space<vmem>>, vector<16xi32>,
    tpu.vector_store %arg11[%swap3A_65, %swap3A_66], %broadcast_in_dim3A_15 {strides = array<i32>} : memref<1x96xi32, #tpu.memory_space<vmem>>, vector<16xi32>,
    %add3A_68 = arith.constant 4 : i32
    %add3A_69 = arith.addi %sub3A, %add3A_68 : i32
    %sub3A_70 = arith.constant 1 : i32
    %sub3A_71 = arith.subi %add3A_69, %sub3A_70 : i32
    %div3A_72 = arith.constant 4 : i32
    %div3A_73 = arith.divsi %sub3A_71, %div3A_72 : i32
    %add3A_74 = arith.constant 0 : i32
    %add3A_75 = arith.addi %mul3A_3, %add3A_74 : i32
    %min3A_76 = arith.constant 7809 : i32
    %min3A_77 = arith.minsi %add3A_75, %min3A_76 : i32
    %mul3A_78 = arith.constant 128 : i32
    %mul3A_79 = arith.muli %min3A_77, %mul3A_78 : i32
    %multiple_of3A = tpu.assume_multiple %mul3A_79, 128 : i32
    %dma_start3A = arith.constant 0 : i32
    %dma_start3A_80 = arith.constant 0 : i32
    %dma_start3A_81 = tpu.memref_slice %arg9[%dma_start3A, %dma_start3A_80] : memref<128x512xf32, #tpu.memory_space<vmem>> -> memref<64x512xf32, #tpu.memory_space<vmem>>
    %dma_start3A_82 = arith.constant 0 : i32
    %dma_start3A_83 = tpu.memref_slice %arg2[%dma_start3A_82, %multiple_of3A] : memref<64x1000001xf32, #tpu.memory_space<hbm>> -> memref<64x512xf32, #tpu.memory_space<hbm>>
    %dma_start3A_84 = arith.constant 0 : i32
    %dma_start3A_85 = arith.constant 0 : i32
    %dma_start3A_86 = tpu.memref_slice %arg9[%dma_start3A_84, %dma_start3A_85] : memref<128x512xf32, #tpu.memory_space<vmem>> -> memref<64x512xf32, #tpu.memory_space<vmem>>
    %dma_start3A_87 = arith.constant 0 : i32
    %dma_start3A_88 = tpu.memref_slice %arg2[%dma_start3A_87, %multiple_of3A] : memref<64x1000001xf32, #tpu.memory_space<hbm>> -> memref<64x512xf32, #tpu.memory_space<hbm>>
    tpu.enqueue_dma source(%dma_start3A_88 : memref<64x512xf32, #tpu.memory_space<hbm>>) target(%dma_start3A_86 : memref<64x512xf32, #tpu.memory_space<vmem>>) target_semaphore(%arg12 : memref<!tpu.dma_semaphore, #tpu.memory_space<semaphore_mem>>)
    %add3A_89 = arith.constant 1 : i32
    %add3A_90 = arith.addi %div3A_73, %add3A_89 : i32
    %div3A_91 = arith.constant 2 : i32
    %div3A_92 = arith.divsi %add3A_90, %div3A_91 : i32
    %while3A = arith.constant 0 : i32
    %while3A_93 = arith.constant 0 : i32
    %while3A_94 = arith.subi %div3A_92, %while3A : i32
    %while3A_95 = arith.addi %while3A, %while3A_94 : i32
    %while3A_96 = arith.constant 1 : i32
    %while3A_97 = arith.divsi %while3A_94, %while3A_96 : i32
    %while3A_98 = arith.muli %while3A_97, %while3A_96 : i32
    %while3A_99 = arith.addi %while3A, %while3A_98 : i32
    %while3A_100 = arith.constant 1 : i32
    %while3A_101 = scf.for %while3A_117 = %while3A to %while3A_99 step %while3A_100 iter_args(%while3A_118 = %while3A_93) -> (i32)  : i32 {
      %mul3A_119 = arith.constant 2 : i32
      %mul3A_120 = arith.muli %while3A_117, %mul3A_119 : i32
      %add3A_121 = arith.constant 0 : i32
      %add3A_122 = arith.addi %mul3A_120, %add3A_121 : i32
      %add3A_123 = arith.constant 1 : i32
      %add3A_124 = arith.addi %add3A_122, %add3A_123 : i32
      %lt3A = arith.cmpi slt, %add3A_124, %div3A_73 : i32
      %convert_element_type3A = arith.extui %lt3A : i1 to i32
      %cond3A = arith.constant 0 : i32
      %cond3A_125 = arith.cmpi ne, %convert_element_type3A, %cond3A : i32
      scf.if %cond3A_125 {
        %add3A_146 = arith.constant 1 : i32
        %add3A_147 = arith.addi %add3A_122, %add3A_146 : i32
        %mul3A_148 = arith.constant 4 : i32
        %mul3A_149 = arith.muli %add3A_147, %mul3A_148 : i32
        %add3A_150 = arith.addi %mul3A_3, %mul3A_149 : i32
        %min3A_151 = arith.constant 7809 : i32
        %min3A_152 = arith.minsi %add3A_150, %min3A_151 : i32
        %mul3A_153 = arith.constant 128 : i32
        %mul3A_154 = arith.muli %min3A_152, %mul3A_153 : i32
        %multiple_of3A_155 = tpu.assume_multiple %mul3A_154, 128 : i32
        %dma_start3A_156 = arith.constant 64 : i32
        %dma_start3A_157 = arith.constant 0 : i32
        %dma_start3A_158 = tpu.memref_slice %arg9[%dma_start3A_156, %dma_start3A_157] : memref<128x512xf32, #tpu.memory_space<vmem>> -> memref<64x512xf32, #tpu.memory_space<vmem>>
        %dma_start3A_159 = arith.constant 0 : i32
        %dma_start3A_160 = tpu.memref_slice %arg2[%dma_start3A_159, %multiple_of3A_155] : memref<64x1000001xf32, #tpu.memory_space<hbm>> -> memref<64x512xf32, #tpu.memory_space<hbm>>
        %dma_start3A_161 = arith.constant 64 : i32
        %dma_start3A_162 = arith.constant 0 : i32
        %dma_start3A_163 = tpu.memref_slice %arg9[%dma_start3A_161, %dma_start3A_162] : memref<128x512xf32, #tpu.memory_space<vmem>> -> memref<64x512xf32, #tpu.memory_space<vmem>>
        %dma_start3A_164 = arith.constant 0 : i32
        %dma_start3A_165 = tpu.memref_slice %arg2[%dma_start3A_164, %multiple_of3A_155] : memref<64x1000001xf32, #tpu.memory_space<hbm>> -> memref<64x512xf32, #tpu.memory_space<hbm>>
        tpu.enqueue_dma source(%dma_start3A_165 : memref<64x512xf32, #tpu.memory_space<hbm>>) target(%dma_start3A_163 : memref<64x512xf32, #tpu.memory_space<vmem>>) target_semaphore(%arg13 : memref<!tpu.dma_semaphore, #tpu.memory_space<semaphore_mem>>)
      } else {
      }
      %lt3A_126 = arith.cmpi slt, %add3A_122, %div3A_73 : i32
      %convert_element_type3A_127 = arith.extui %lt3A_126 : i1 to i32
      %cond3A_128 = arith.constant 0 : i32
      %cond3A_129 = arith.cmpi ne, %convert_element_type3A_127, %cond3A_128 : i32
      %cond3A_130 = scf.if %cond3A_129 -> (i32) {
        %dma_wait3A_146 = arith.constant 0 : i32
        %dma_wait3A_147 = arith.constant 0 : i32
        %dma_wait3A_148 = tpu.memref_slice %arg9[%dma_wait3A_146, %dma_wait3A_147] : memref<128x512xf32, #tpu.memory_space<vmem>> -> memref<64x512xf32, #tpu.memory_space<vmem>>
        %dma_wait3A_149 = arith.constant 0 : i32
        %dma_wait3A_150 = arith.constant 0 : i32
        %dma_wait3A_151 = tpu.memref_slice %arg2[%dma_wait3A_149, %dma_wait3A_150] : memref<64x1000001xf32, #tpu.memory_space<hbm>> -> memref<64x512xf32, #tpu.memory_space<hbm>>
        %dma_wait3A_152 = arith.constant 0 : i32
        %dma_wait3A_153 = arith.constant 0 : i32
        %dma_wait3A_154 = tpu.memref_slice %arg9[%dma_wait3A_152, %dma_wait3A_153] : memref<128x512xf32, #tpu.memory_space<vmem>> -> memref<64x512xf32, #tpu.memory_space<vmem>>
        %dma_wait3A_155 = arith.constant 0 : i32
        %dma_wait3A_156 = arith.constant 0 : i32
        %dma_wait3A_157 = tpu.memref_slice %arg2[%dma_wait3A_155, %dma_wait3A_156] : memref<64x1000001xf32, #tpu.memory_space<hbm>> -> memref<64x512xf32, #tpu.memory_space<hbm>>
        tpu.wait_dma2 semaphore(%arg12 : memref<!tpu.dma_semaphore, #tpu.memory_space<semaphore_mem>>) src(%dma_wait3A_157 : memref<64x512xf32, #tpu.memory_space<hbm>>) dst(%dma_wait3A_154 : memref<64x512xf32, #tpu.memory_space<vmem>>)
        %mul3A_158 = arith.constant 4 : i32
        %mul3A_159 = arith.muli %add3A_122, %mul3A_158 : i32
        %add3A_160 = arith.addi %mul3A_3, %mul3A_159 : i32
        %broadcast_in_dim3A_161 = vector.broadcast %add3A_160 : i32 to vector<16xi32>
        %min3A_162 = arith.constant 7809 : i32
        %min3A_163 = vector.broadcast %min3A_162 : i32 to vector<16xi32>
        %min3A_164 = arith.minsi %broadcast_in_dim3A_161, %min3A_163 : vector<16xi32>
        %mul3A_165 = arith.constant 4 : i32
        %mul3A_166 = arith.muli %add3A_122, %mul3A_165 : i32
        %broadcast_in_dim3A_167 = vector.broadcast %mul3A_166 : i32 to vector<16xi32>
        %div3A_168 = arith.constant 16 : i32
        %div3A_169 = vector.broadcast %div3A_168 : i32 to vector<16xi32>
        %div3A_170 = arith.divsi %broadcast_in_dim3A_167, %div3A_169 : vector<16xi32>
        %gather3A = tpu.vector_load_idx %arg8[%broadcast_in_dim3A_1, %div3A_170] : memref<1x32xi32, #tpu.memory_space<vmem>>[vector<16xi32>, vector<16xi32>], vector<16xi32>,
        %slice3A = vector.extract_strided_slice %gather3A {offsets = [0], sizes = [1], strides = [1]} : vector<16xi32> to vector<1xi32>
        %squeeze3A = vector.extract %slice3A[0] : i32 from vector<1xi32>
        %add3A_171 = arith.constant 1 : i32
        %add3A_172 = vector.broadcast %add3A_171 : i32 to vector<16xi32>
        %add3A_173 = arith.addi %div3A_170, %add3A_172 : vector<16xi32>
        %gather3A_174 = tpu.vector_load_idx %arg8[%broadcast_in_dim3A_1, %add3A_173] : memref<1x32xi32, #tpu.memory_space<vmem>>[vector<16xi32>, vector<16xi32>], vector<16xi32>,
        %slice3A_175 = vector.extract_strided_slice %gather3A_174 {offsets = [0], sizes = [1], strides = [1]} : vector<16xi32> to vector<1xi32>
        %squeeze3A_176 = vector.extract %slice3A_175[0] : i32 from vector<1xi32>
        %div3A_177 = arith.constant 16 : i32
        %div3A_178 = arith.divsi %squeeze3A, %div3A_177 : i32
        %div3A_179 = arith.constant 16 : i32
        %div3A_180 = arith.divsi %squeeze3A_176, %div3A_179 : i32
        %while3A_181 = arith.subi %div3A_180, %div3A_178 : i32
        %while3A_182 = arith.addi %div3A_178, %while3A_181 : i32
        %while3A_183 = arith.constant 1 : i32
        %while3A_184 = arith.divsi %while3A_181, %while3A_183 : i32
        %while3A_185 = arith.muli %while3A_184, %while3A_183 : i32
        %while3A_186 = arith.addi %div3A_178, %while3A_185 : i32
        %while3A_187 = arith.constant 1 : i32
        %while3A_188 = scf.for %while3A_191 = %div3A_178 to %while3A_186 step %while3A_187 iter_args(%while3A_192 = %while3A_118) -> (i32)  : i32 {
          %ge3A = arith.constant 80 : i32
          %ge3A_193 = arith.cmpi sge, %while3A_192, %ge3A : i32
          %convert_element_type3A_194 = arith.extui %ge3A_193 : i1 to i32
          %cond3A_195 = arith.constant 0 : i32
          %cond3A_196 = arith.cmpi ne, %convert_element_type3A_194, %cond3A_195 : i32
          scf.if %cond3A_196 {
            %dma_start3A_217 = arith.constant 0 : i32
            %dma_start3A_218 = arith.constant 0 : i32
            %dma_start3A_219 = tpu.memref_slice %arg11[%dma_start3A_217, %dma_start3A_218] : memref<1x96xi32, #tpu.memory_space<vmem>> -> memref<1x96xi32, #tpu.memory_space<vmem>>
            %dma_start3A_220 = tpu.memref_squeeze %dma_start3A_219 : memref<1x96xi32, #tpu.memory_space<vmem>> -> memref<96xi32, #tpu.memory_space<vmem>>
            %dma_start3A_221 = arith.constant 0 : i32
            %dma_start3A_222 = arith.constant 0 : i32
            %dma_start3A_223 = tpu.memref_slice %arg4[%dma_start3A_221, %dma_start3A_222] : memref<16416x128xf32, #tpu.memory_space<hbm>> -> memref<16416x128xf32, #tpu.memory_space<hbm>>
            tpu.enqueue_indirect_dma source(%arg10 : memref<96x128xf32, #tpu.memory_space<vmem>>) target(%dma_start3A_223 : memref<16416x128xf32, #tpu.memory_space<hbm>>) offsets(%dma_start3A_220 : memref<96xi32, #tpu.memory_space<vmem>>) semaphore(%arg14 : memref<!tpu.dma_semaphore, #tpu.memory_space<semaphore_mem>>)
            %dma_wait3A_224 = arith.constant 0 : i32
            %dma_wait3A_225 = arith.constant 0 : i32
            %dma_wait3A_226 = tpu.memref_slice %arg11[%dma_wait3A_224, %dma_wait3A_225] : memref<1x96xi32, #tpu.memory_space<vmem>> -> memref<1x96xi32, #tpu.memory_space<vmem>>
            %dma_wait3A_227 = tpu.memref_squeeze %dma_wait3A_226 : memref<1x96xi32, #tpu.memory_space<vmem>> -> memref<96xi32, #tpu.memory_space<vmem>>
            %dma_wait3A_228 = arith.constant 0 : i32
            %dma_wait3A_229 = arith.constant 0 : i32
            %dma_wait3A_230 = tpu.memref_slice %arg4[%dma_wait3A_228, %dma_wait3A_229] : memref<16416x128xf32, #tpu.memory_space<hbm>> -> memref<16416x128xf32, #tpu.memory_space<hbm>>
            tpu.wait_indirect_dma semaphore(%arg14 : memref<!tpu.dma_semaphore, #tpu.memory_space<semaphore_mem>>) src(%arg10 : memref<96x128xf32, #tpu.memory_space<vmem>>) dst(%dma_wait3A_230 : memref<16416x128xf32, #tpu.memory_space<hbm>>)
            %swap3A_231 = arith.constant 0 : i32
            %swap3A_232 = arith.index_cast %swap3A_231 : i32 to index
            %swap3A_233 = arith.constant 0 : index
            %swap3A_234 = tpu.vector_load %arg11[%swap3A_232, %swap3A_233] {strides = array<i32>} : memref<1x96xi32, #tpu.memory_space<vmem>>, vector<16xi32>,
            tpu.vector_store %arg11[%swap3A_232, %swap3A_233], %broadcast_in_dim3A_15 {strides = array<i32>} : memref<1x96xi32, #tpu.memory_space<vmem>>, vector<16xi32>,
            %swap3A_235 = arith.constant 0 : i32
            %swap3A_236 = arith.index_cast %swap3A_235 : i32 to index
            %swap3A_237 = arith.constant 16 : index
            %swap3A_238 = tpu.vector_load %arg11[%swap3A_236, %swap3A_237] {strides = array<i32>} : memref<1x96xi32, #tpu.memory_space<vmem>>, vector<16xi32>,
            tpu.vector_store %arg11[%swap3A_236, %swap3A_237], %broadcast_in_dim3A_15 {strides = array<i32>} : memref<1x96xi32, #tpu.memory_space<vmem>>, vector<16xi32>,
            %swap3A_239 = arith.constant 0 : i32
            %swap3A_240 = arith.index_cast %swap3A_239 : i32 to index
            %swap3A_241 = arith.constant 32 : index
            %swap3A_242 = tpu.vector_load %arg11[%swap3A_240, %swap3A_241] {strides = array<i32>} : memref<1x96xi32, #tpu.memory_space<vmem>>, vector<16xi32>,
            tpu.vector_store %arg11[%swap3A_240, %swap3A_241], %broadcast_in_dim3A_15 {strides = array<i32>} : memref<1x96xi32, #tpu.memory_space<vmem>>, vector<16xi32>,
            %swap3A_243 = arith.constant 0 : i32
            %swap3A_244 = arith.index_cast %swap3A_243 : i32 to index
            %swap3A_245 = arith.constant 48 : index
            %swap3A_246 = tpu.vector_load %arg11[%swap3A_244, %swap3A_245] {strides = array<i32>} : memref<1x96xi32, #tpu.memory_space<vmem>>, vector<16xi32>,
            tpu.vector_store %arg11[%swap3A_244, %swap3A_245], %broadcast_in_dim3A_15 {strides = array<i32>} : memref<1x96xi32, #tpu.memory_space<vmem>>, vector<16xi32>,
            %swap3A_247 = arith.constant 0 : i32
            %swap3A_248 = arith.index_cast %swap3A_247 : i32 to index
            %swap3A_249 = arith.constant 64 : index
            %swap3A_250 = tpu.vector_load %arg11[%swap3A_248, %swap3A_249] {strides = array<i32>} : memref<1x96xi32, #tpu.memory_space<vmem>>, vector<16xi32>,
            tpu.vector_store %arg11[%swap3A_248, %swap3A_249], %broadcast_in_dim3A_15 {strides = array<i32>} : memref<1x96xi32, #tpu.memory_space<vmem>>, vector<16xi32>,
            %swap3A_251 = arith.constant 0 : i32
            %swap3A_252 = arith.index_cast %swap3A_251 : i32 to index
            %swap3A_253 = arith.constant 80 : index
            %swap3A_254 = tpu.vector_load %arg11[%swap3A_252, %swap3A_253] {strides = array<i32>} : memref<1x96xi32, #tpu.memory_space<vmem>>, vector<16xi32>,
            tpu.vector_store %arg11[%swap3A_252, %swap3A_253], %broadcast_in_dim3A_15 {strides = array<i32>} : memref<1x96xi32, #tpu.memory_space<vmem>>, vector<16xi32>,
          } else {
          }
          %jit3A = arith.constant 0 : i32
          %select_n3A = arith.select %ge3A_193, %jit3A, %while3A_192 : i32
          %mul3A_197 = arith.constant 16 : i32
          %mul3A_198 = arith.muli %while3A_191, %mul3A_197 : i32
          %get3A = arith.index_cast %mul3A_198 : i32 to index
          %get3A_199 = tpu.vector_load %arg7[%get3A] {strides = array<i32>} : memref<16640xi32, #tpu.memory_space<vmem>>, vector<16xi32>,
          %gather3A_200 = tpu.vector_load_idx %arg5[%get3A_199] : memref<16400xi32, #tpu.memory_space<vmem>>[vector<16xi32>], vector<16xi32>,
          %shift_right_logical3A = arith.constant 7 : i32
          %shift_right_logical3A_201 = vector.broadcast %shift_right_logical3A : i32 to vector<16xi32>
          %shift_right_logical3A_202 = arith.shrui %gather3A_200, %shift_right_logical3A_201 : vector<16xi32>
          %sub3A_203 = arith.subi %shift_right_logical3A_202, %broadcast_in_dim3A_161 : vector<16xi32>
          %ge3A_204 = arith.constant 0 : i32
          %ge3A_205 = vector.broadcast %ge3A_204 : i32 to vector<16xi32>
          %ge3A_206 = arith.cmpi sge, %sub3A_203, %ge3A_205 : vector<16xi32>
          %lt3A_207 = arith.constant 4 : i32
          %lt3A_208 = vector.broadcast %lt3A_207 : i32 to vector<16xi32>
          %lt3A_209 = arith.cmpi slt, %sub3A_203, %lt3A_208 : vector<16xi32>
          %and3A = arith.andi %ge3A_206, %lt3A_209 : vector<16xi1>
          %all_reduce_population_count3A = tpu.all_reduce %and3A {dim = 0 : i64, kind = #tpu.reduction_kind<sum>} : vector<16xi1> -> vector<16xi32>
          %slice3A_210 = vector.extract_strided_slice %all_reduce_population_count3A {offsets = [0], sizes = [1], strides = [1]} : vector<16xi32> to vector<1xi32>
          %squeeze3A_211 = vector.extract %slice3A_210[0] : i32 from vector<1xi32>
          %gt3A = arith.constant 0 : i32
          %gt3A_212 = arith.cmpi sgt, %squeeze3A_211, %gt3A : i32
          %convert_element_type3A_213 = arith.extui %gt3A_212 : i1 to i32
          %cond3A_214 = arith.constant 0 : i32
          %cond3A_215 = arith.cmpi ne, %convert_element_type3A_213, %cond3A_214 : i32
          %cond3A_216 = scf.if %cond3A_215 -> (i32) {
            %while3A_217:2 = scf.while (%while3A_218 = %and3A, %while3A_219 = %select_n3A) : (vector<16xi1>, i32) -> (vector<16xi1>, i32) {
              %all_reduce_population_count3A_220 = tpu.all_reduce %while3A_218 {dim = 0 : i64, kind = #tpu.reduction_kind<sum>} : vector<16xi1> -> vector<16xi32>
              %slice3A_221 = vector.extract_strided_slice %all_reduce_population_count3A_220 {offsets = [0], sizes = [1], strides = [1]} : vector<16xi32> to vector<1xi32>
              %squeeze3A_222 = vector.extract %slice3A_221[0] : i32 from vector<1xi32>
              %gt3A_223 = arith.constant 0 : i32
              %gt3A_224 = arith.cmpi sgt, %squeeze3A_222, %gt3A_223 : i32
              scf.condition(%gt3A_224) %while3A_218, %while3A_219 : vector<16xi1>, i32
            } do {
            ^bb0(%while3A_218: vector<16xi1>, %while3A_219: i32):
              %all_reduce_ffs3A = tpu.all_reduce %while3A_218 {dim = 0 : i64, kind = #tpu.reduction_kind<find_first_set>} : vector<16xi1> -> vector<16xi32>
              %mul3A_220 = arith.constant 16 : i32
              %mul3A_221 = arith.muli %while3A_191, %mul3A_220 : i32
              %broadcast_in_dim3A_222 = vector.broadcast %mul3A_221 : i32 to vector<16xi32>
              %add3A_223 = arith.addi %broadcast_in_dim3A_222, %all_reduce_ffs3A : vector<16xi32>
              %gather3A_224 = tpu.vector_load_idx %arg7[%add3A_223] : memref<16640xi32, #tpu.memory_space<vmem>>[vector<16xi32>], vector<16xi32>,
              %gather3A_225 = tpu.vector_load_idx %arg5[%gather3A_224] : memref<16400xi32, #tpu.memory_space<vmem>>[vector<16xi32>], vector<16xi32>,
              %shift_right_logical3A_226 = arith.constant 7 : i32
              %shift_right_logical3A_227 = vector.broadcast %shift_right_logical3A_226 : i32 to vector<16xi32>
              %shift_right_logical3A_228 = arith.shrui %gather3A_225, %shift_right_logical3A_227 : vector<16xi32>
              %sub3A_229 = arith.subi %shift_right_logical3A_228, %min3A_164 : vector<16xi32>
              %and3A_230 = arith.constant 127 : i32
              %and3A_231 = vector.broadcast %and3A_230 : i32 to vector<16xi32>
              %and3A_232 = arith.andi %gather3A_225, %and3A_231 : vector<16xi32>
              %mul3A_233 = arith.constant 128 : i32
              %mul3A_234 = vector.broadcast %mul3A_233 : i32 to vector<16xi32>
              %mul3A_235 = arith.muli %sub3A_229, %mul3A_234 : vector<16xi32>
              %add3A_236 = arith.addi %and3A_232, %mul3A_235 : vector<16xi32>
              %broadcast_in_dim3A_237 = vector.broadcast %while3A_219 : i32 to vector<16xi32>
              %broadcast_in_dim3A_238 = arith.constant 0 : i32
              %broadcast_in_dim3A_239 = vector.broadcast %broadcast_in_dim3A_238 : i32 to vector<16xi32>
              %add3A_240 = arith.addi %broadcast_in_dim3A_239, %iota3A : vector<16xi32>
              %gather3A_241 = tpu.vector_load_idx %arg9[%add3A_240, %add3A_236] : memref<128x512xf32, #tpu.memory_space<vmem>>[vector<16xi32>, vector<16xi32>], vector<16xf32>,
              %add3A_242 = arith.constant 0 : i32
              %add3A_243 = vector.broadcast %add3A_242 : i32 to vector<16xi32>
              %add3A_244 = arith.addi %iota3A, %add3A_243 : vector<16xi32>
              tpu.vector_store_idx %arg10[%broadcast_in_dim3A_237, %add3A_244], %gather3A_241 : memref<96x128xf32, #tpu.memory_space<vmem>>[vector<16xi32>, vector<16xi32>], vector<16xf32>,
              %broadcast_in_dim3A_245 = arith.constant 16 : i32
              %broadcast_in_dim3A_246 = vector.broadcast %broadcast_in_dim3A_245 : i32 to vector<16xi32>
              %add3A_247 = arith.addi %broadcast_in_dim3A_246, %iota3A : vector<16xi32>
              %gather3A_248 = tpu.vector_load_idx %arg9[%add3A_247, %add3A_236] : memref<128x512xf32, #tpu.memory_space<vmem>>[vector<16xi32>, vector<16xi32>], vector<16xf32>,
              %add3A_249 = arith.constant 16 : i32
              %add3A_250 = vector.broadcast %add3A_249 : i32 to vector<16xi32>
              %add3A_251 = arith.addi %iota3A, %add3A_250 : vector<16xi32>
              tpu.vector_store_idx %arg10[%broadcast_in_dim3A_237, %add3A_251], %gather3A_248 : memref<96x128xf32, #tpu.memory_space<vmem>>[vector<16xi32>, vector<16xi32>], vector<16xf32>,
              %broadcast_in_dim3A_252 = arith.constant 32 : i32
              %broadcast_in_dim3A_253 = vector.broadcast %broadcast_in_dim3A_252 : i32 to vector<16xi32>
              %add3A_254 = arith.addi %broadcast_in_dim3A_253, %iota3A : vector<16xi32>
              %gather3A_255 = tpu.vector_load_idx %arg9[%add3A_254, %add3A_236] : memref<128x512xf32, #tpu.memory_space<vmem>>[vector<16xi32>, vector<16xi32>], vector<16xf32>,
              %add3A_256 = arith.constant 32 : i32
              %add3A_257 = vector.broadcast %add3A_256 : i32 to vector<16xi32>
              %add3A_258 = arith.addi %iota3A, %add3A_257 : vector<16xi32>
              tpu.vector_store_idx %arg10[%broadcast_in_dim3A_237, %add3A_258], %gather3A_255 : memref<96x128xf32, #tpu.memory_space<vmem>>[vector<16xi32>, vector<16xi32>], vector<16xf32>,
              %broadcast_in_dim3A_259 = arith.constant 48 : i32
              %broadcast_in_dim3A_260 = vector.broadcast %broadcast_in_dim3A_259 : i32 to vector<16xi32>
              %add3A_261 = arith.addi %broadcast_in_dim3A_260, %iota3A : vector<16xi32>
              %gather3A_262 = tpu.vector_load_idx %arg9[%add3A_261, %add3A_236] : memref<128x512xf32, #tpu.memory_space<vmem>>[vector<16xi32>, vector<16xi32>], vector<16xf32>,
              %add3A_263 = arith.constant 48 : i32
              %add3A_264 = vector.broadcast %add3A_263 : i32 to vector<16xi32>
              %add3A_265 = arith.addi %iota3A, %add3A_264 : vector<16xi32>
              tpu.vector_store_idx %arg10[%broadcast_in_dim3A_237, %add3A_265], %gather3A_262 : memref<96x128xf32, #tpu.memory_space<vmem>>[vector<16xi32>, vector<16xi32>], vector<16xf32>,
              tpu.vector_store_idx %arg11[%broadcast_in_dim3A_1, %broadcast_in_dim3A_237], %gather3A_224 masked %eq3A_19 : memref<1x96xi32, #tpu.memory_space<vmem>>[vector<16xi32>, vector<16xi32>], vector<16xi32>, vector<16xi1>
              %ne3A = arith.cmpi ne, %iota3A, %all_reduce_ffs3A : vector<16xi32>
              %and3A_266 = arith.andi %while3A_218, %ne3A : vector<16xi1>
              %add3A_267 = arith.constant 1 : i32
              %add3A_268 = arith.addi %while3A_219, %add3A_267 : i32
              scf.yield %and3A_266, %add3A_268 : vector<16xi1>, i32
            }
            scf.yield %while3A_217#1 : i32
          } else {
            scf.yield %select_n3A : i32
          }
          scf.yield %cond3A_216 : i32
        }
        %while3A_189 = arith.constant 1 : i32
        %while3A_190 = scf.for %while3A_191 = %while3A_186 to %while3A_182 step %while3A_189 iter_args(%while3A_192 = %while3A_188) -> (i32)  : i32 {
          %ge3A = arith.constant 80 : i32
          %ge3A_193 = arith.cmpi sge, %while3A_192, %ge3A : i32
          %convert_element_type3A_194 = arith.extui %ge3A_193 : i1 to i32
          %cond3A_195 = arith.constant 0 : i32
          %cond3A_196 = arith.cmpi ne, %convert_element_type3A_194, %cond3A_195 : i32
          scf.if %cond3A_196 {
            %dma_start3A_217 = arith.constant 0 : i32
            %dma_start3A_218 = arith.constant 0 : i32
            %dma_start3A_219 = tpu.memref_slice %arg11[%dma_start3A_217, %dma_start3A_218] : memref<1x96xi32, #tpu.memory_space<vmem>> -> memref<1x96xi32, #tpu.memory_space<vmem>>
            %dma_start3A_220 = tpu.memref_squeeze %dma_start3A_219 : memref<1x96xi32, #tpu.memory_space<vmem>> -> memref<96xi32, #tpu.memory_space<vmem>>
            %dma_start3A_221 = arith.constant 0 : i32
            %dma_start3A_222 = arith.constant 0 : i32
            %dma_start3A_223 = tpu.memref_slice %arg4[%dma_start3A_221, %dma_start3A_222] : memref<16416x128xf32, #tpu.memory_space<hbm>> -> memref<16416x128xf32, #tpu.memory_space<hbm>>
            tpu.enqueue_indirect_dma source(%arg10 : memref<96x128xf32, #tpu.memory_space<vmem>>) target(%dma_start3A_223 : memref<16416x128xf32, #tpu.memory_space<hbm>>) offsets(%dma_start3A_220 : memref<96xi32, #tpu.memory_space<vmem>>) semaphore(%arg14 : memref<!tpu.dma_semaphore, #tpu.memory_space<semaphore_mem>>)
            %dma_wait3A_224 = arith.constant 0 : i32
            %dma_wait3A_225 = arith.constant 0 : i32
            %dma_wait3A_226 = tpu.memref_slice %arg11[%dma_wait3A_224, %dma_wait3A_225] : memref<1x96xi32, #tpu.memory_space<vmem>> -> memref<1x96xi32, #tpu.memory_space<vmem>>
            %dma_wait3A_227 = tpu.memref_squeeze %dma_wait3A_226 : memref<1x96xi32, #tpu.memory_space<vmem>> -> memref<96xi32, #tpu.memory_space<vmem>>
            %dma_wait3A_228 = arith.constant 0 : i32
            %dma_wait3A_229 = arith.constant 0 : i32
            %dma_wait3A_230 = tpu.memref_slice %arg4[%dma_wait3A_228, %dma_wait3A_229] : memref<16416x128xf32, #tpu.memory_space<hbm>> -> memref<16416x128xf32, #tpu.memory_space<hbm>>
            tpu.wait_indirect_dma semaphore(%arg14 : memref<!tpu.dma_semaphore, #tpu.memory_space<semaphore_mem>>) src(%arg10 : memref<96x128xf32, #tpu.memory_space<vmem>>) dst(%dma_wait3A_230 : memref<16416x128xf32, #tpu.memory_space<hbm>>)
            %swap3A_231 = arith.constant 0 : i32
            %swap3A_232 = arith.index_cast %swap3A_231 : i32 to index
            %swap3A_233 = arith.constant 0 : index
            %swap3A_234 = tpu.vector_load %arg11[%swap3A_232, %swap3A_233] {strides = array<i32>} : memref<1x96xi32, #tpu.memory_space<vmem>>, vector<16xi32>,
            tpu.vector_store %arg11[%swap3A_232, %swap3A_233], %broadcast_in_dim3A_15 {strides = array<i32>} : memref<1x96xi32, #tpu.memory_space<vmem>>, vector<16xi32>,
            %swap3A_235 = arith.constant 0 : i32
            %swap3A_236 = arith.index_cast %swap3A_235 : i32 to index
            %swap3A_237 = arith.constant 16 : index
            %swap3A_238 = tpu.vector_load %arg11[%swap3A_236, %swap3A_237] {strides = array<i32>} : memref<1x96xi32, #tpu.memory_space<vmem>>, vector<16xi32>,
            tpu.vector_store %arg11[%swap3A_236, %swap3A_237], %broadcast_in_dim3A_15 {strides = array<i32>} : memref<1x96xi32, #tpu.memory_space<vmem>>, vector<16xi32>,
            %swap3A_239 = arith.constant 0 : i32
            %swap3A_240 = arith.index_cast %swap3A_239 : i32 to index
            %swap3A_241 = arith.constant 32 : index
            %swap3A_242 = tpu.vector_load %arg11[%swap3A_240, %swap3A_241] {strides = array<i32>} : memref<1x96xi32, #tpu.memory_space<vmem>>, vector<16xi32>,
            tpu.vector_store %arg11[%swap3A_240, %swap3A_241], %broadcast_in_dim3A_15 {strides = array<i32>} : memref<1x96xi32, #tpu.memory_space<vmem>>, vector<16xi32>,
            %swap3A_243 = arith.constant 0 : i32
            %swap3A_244 = arith.index_cast %swap3A_243 : i32 to index
            %swap3A_245 = arith.constant 48 : index
            %swap3A_246 = tpu.vector_load %arg11[%swap3A_244, %swap3A_245] {strides = array<i32>} : memref<1x96xi32, #tpu.memory_space<vmem>>, vector<16xi32>,
            tpu.vector_store %arg11[%swap3A_244, %swap3A_245], %broadcast_in_dim3A_15 {strides = array<i32>} : memref<1x96xi32, #tpu.memory_space<vmem>>, vector<16xi32>,
            %swap3A_247 = arith.constant 0 : i32
            %swap3A_248 = arith.index_cast %swap3A_247 : i32 to index
            %swap3A_249 = arith.constant 64 : index
            %swap3A_250 = tpu.vector_load %arg11[%swap3A_248, %swap3A_249] {strides = array<i32>} : memref<1x96xi32, #tpu.memory_space<vmem>>, vector<16xi32>,
            tpu.vector_store %arg11[%swap3A_248, %swap3A_249], %broadcast_in_dim3A_15 {strides = array<i32>} : memref<1x96xi32, #tpu.memory_space<vmem>>, vector<16xi32>,
            %swap3A_251 = arith.constant 0 : i32
            %swap3A_252 = arith.index_cast %swap3A_251 : i32 to index
            %swap3A_253 = arith.constant 80 : index
            %swap3A_254 = tpu.vector_load %arg11[%swap3A_252, %swap3A_253] {strides = array<i32>} : memref<1x96xi32, #tpu.memory_space<vmem>>, vector<16xi32>,
            tpu.vector_store %arg11[%swap3A_252, %swap3A_253], %broadcast_in_dim3A_15 {strides = array<i32>} : memref<1x96xi32, #tpu.memory_space<vmem>>, vector<16xi32>,
          } else {
          }
          %jit3A = arith.constant 0 : i32
          %select_n3A = arith.select %ge3A_193, %jit3A, %while3A_192 : i32
          %mul3A_197 = arith.constant 16 : i32
          %mul3A_198 = arith.muli %while3A_191, %mul3A_197 : i32
          %get3A = arith.index_cast %mul3A_198 : i32 to index
          %get3A_199 = tpu.vector_load %arg7[%get3A] {strides = array<i32>} : memref<16640xi32, #tpu.memory_space<vmem>>, vector<16xi32>,
          %gather3A_200 = tpu.vector_load_idx %arg5[%get3A_199] : memref<16400xi32, #tpu.memory_space<vmem>>[vector<16xi32>], vector<16xi32>,
          %shift_right_logical3A = arith.constant 7 : i32
          %shift_right_logical3A_201 = vector.broadcast %shift_right_logical3A : i32 to vector<16xi32>
          %shift_right_logical3A_202 = arith.shrui %gather3A_200, %shift_right_logical3A_201 : vector<16xi32>
          %sub3A_203 = arith.subi %shift_right_logical3A_202, %broadcast_in_dim3A_161 : vector<16xi32>
          %ge3A_204 = arith.constant 0 : i32
          %ge3A_205 = vector.broadcast %ge3A_204 : i32 to vector<16xi32>
          %ge3A_206 = arith.cmpi sge, %sub3A_203, %ge3A_205 : vector<16xi32>
          %lt3A_207 = arith.constant 4 : i32
          %lt3A_208 = vector.broadcast %lt3A_207 : i32 to vector<16xi32>
          %lt3A_209 = arith.cmpi slt, %sub3A_203, %lt3A_208 : vector<16xi32>
          %and3A = arith.andi %ge3A_206, %lt3A_209 : vector<16xi1>
          %all_reduce_population_count3A = tpu.all_reduce %and3A {dim = 0 : i64, kind = #tpu.reduction_kind<sum>} : vector<16xi1> -> vector<16xi32>
          %slice3A_210 = vector.extract_strided_slice %all_reduce_population_count3A {offsets = [0], sizes = [1], strides = [1]} : vector<16xi32> to vector<1xi32>
          %squeeze3A_211 = vector.extract %slice3A_210[0] : i32 from vector<1xi32>
          %gt3A = arith.constant 0 : i32
          %gt3A_212 = arith.cmpi sgt, %squeeze3A_211, %gt3A : i32
          %convert_element_type3A_213 = arith.extui %gt3A_212 : i1 to i32
          %cond3A_214 = arith.constant 0 : i32
          %cond3A_215 = arith.cmpi ne, %convert_element_type3A_213, %cond3A_214 : i32
          %cond3A_216 = scf.if %cond3A_215 -> (i32) {
            %while3A_217:2 = scf.while (%while3A_218 = %and3A, %while3A_219 = %select_n3A) : (vector<16xi1>, i32) -> (vector<16xi1>, i32) {
              %all_reduce_population_count3A_220 = tpu.all_reduce %while3A_218 {dim = 0 : i64, kind = #tpu.reduction_kind<sum>} : vector<16xi1> -> vector<16xi32>
              %slice3A_221 = vector.extract_strided_slice %all_reduce_population_count3A_220 {offsets = [0], sizes = [1], strides = [1]} : vector<16xi32> to vector<1xi32>
              %squeeze3A_222 = vector.extract %slice3A_221[0] : i32 from vector<1xi32>
              %gt3A_223 = arith.constant 0 : i32
              %gt3A_224 = arith.cmpi sgt, %squeeze3A_222, %gt3A_223 : i32
              scf.condition(%gt3A_224) %while3A_218, %while3A_219 : vector<16xi1>, i32
            } do {
            ^bb0(%while3A_218: vector<16xi1>, %while3A_219: i32):
              %all_reduce_ffs3A = tpu.all_reduce %while3A_218 {dim = 0 : i64, kind = #tpu.reduction_kind<find_first_set>} : vector<16xi1> -> vector<16xi32>
              %mul3A_220 = arith.constant 16 : i32
              %mul3A_221 = arith.muli %while3A_191, %mul3A_220 : i32
              %broadcast_in_dim3A_222 = vector.broadcast %mul3A_221 : i32 to vector<16xi32>
              %add3A_223 = arith.addi %broadcast_in_dim3A_222, %all_reduce_ffs3A : vector<16xi32>
              %gather3A_224 = tpu.vector_load_idx %arg7[%add3A_223] : memref<16640xi32, #tpu.memory_space<vmem>>[vector<16xi32>], vector<16xi32>,
              %gather3A_225 = tpu.vector_load_idx %arg5[%gather3A_224] : memref<16400xi32, #tpu.memory_space<vmem>>[vector<16xi32>], vector<16xi32>,
              %shift_right_logical3A_226 = arith.constant 7 : i32
              %shift_right_logical3A_227 = vector.broadcast %shift_right_logical3A_226 : i32 to vector<16xi32>
              %shift_right_logical3A_228 = arith.shrui %gather3A_225, %shift_right_logical3A_227 : vector<16xi32>
              %sub3A_229 = arith.subi %shift_right_logical3A_228, %min3A_164 : vector<16xi32>
              %and3A_230 = arith.constant 127 : i32
              %and3A_231 = vector.broadcast %and3A_230 : i32 to vector<16xi32>
              %and3A_232 = arith.andi %gather3A_225, %and3A_231 : vector<16xi32>
              %mul3A_233 = arith.constant 128 : i32
              %mul3A_234 = vector.broadcast %mul3A_233 : i32 to vector<16xi32>
              %mul3A_235 = arith.muli %sub3A_229, %mul3A_234 : vector<16xi32>
              %add3A_236 = arith.addi %and3A_232, %mul3A_235 : vector<16xi32>
              %broadcast_in_dim3A_237 = vector.broadcast %while3A_219 : i32 to vector<16xi32>
              %broadcast_in_dim3A_238 = arith.constant 0 : i32
              %broadcast_in_dim3A_239 = vector.broadcast %broadcast_in_dim3A_238 : i32 to vector<16xi32>
              %add3A_240 = arith.addi %broadcast_in_dim3A_239, %iota3A : vector<16xi32>
              %gather3A_241 = tpu.vector_load_idx %arg9[%add3A_240, %add3A_236] : memref<128x512xf32, #tpu.memory_space<vmem>>[vector<16xi32>, vector<16xi32>], vector<16xf32>,
              %add3A_242 = arith.constant 0 : i32
              %add3A_243 = vector.broadcast %add3A_242 : i32 to vector<16xi32>
              %add3A_244 = arith.addi %iota3A, %add3A_243 : vector<16xi32>
              tpu.vector_store_idx %arg10[%broadcast_in_dim3A_237, %add3A_244], %gather3A_241 : memref<96x128xf32, #tpu.memory_space<vmem>>[vector<16xi32>, vector<16xi32>], vector<16xf32>,
              %broadcast_in_dim3A_245 = arith.constant 16 : i32
              %broadcast_in_dim3A_246 = vector.broadcast %broadcast_in_dim3A_245 : i32 to vector<16xi32>
              %add3A_247 = arith.addi %broadcast_in_dim3A_246, %iota3A : vector<16xi32>
              %gather3A_248 = tpu.vector_load_idx %arg9[%add3A_247, %add3A_236] : memref<128x512xf32, #tpu.memory_space<vmem>>[vector<16xi32>, vector<16xi32>], vector<16xf32>,
              %add3A_249 = arith.constant 16 : i32
              %add3A_250 = vector.broadcast %add3A_249 : i32 to vector<16xi32>
              %add3A_251 = arith.addi %iota3A, %add3A_250 : vector<16xi32>
              tpu.vector_store_idx %arg10[%broadcast_in_dim3A_237, %add3A_251], %gather3A_248 : memref<96x128xf32, #tpu.memory_space<vmem>>[vector<16xi32>, vector<16xi32>], vector<16xf32>,
              %broadcast_in_dim3A_252 = arith.constant 32 : i32
              %broadcast_in_dim3A_253 = vector.broadcast %broadcast_in_dim3A_252 : i32 to vector<16xi32>
              %add3A_254 = arith.addi %broadcast_in_dim3A_253, %iota3A : vector<16xi32>
              %gather3A_255 = tpu.vector_load_idx %arg9[%add3A_254, %add3A_236] : memref<128x512xf32, #tpu.memory_space<vmem>>[vector<16xi32>, vector<16xi32>], vector<16xf32>,
              %add3A_256 = arith.constant 32 : i32
              %add3A_257 = vector.broadcast %add3A_256 : i32 to vector<16xi32>
              %add3A_258 = arith.addi %iota3A, %add3A_257 : vector<16xi32>
              tpu.vector_store_idx %arg10[%broadcast_in_dim3A_237, %add3A_258], %gather3A_255 : memref<96x128xf32, #tpu.memory_space<vmem>>[vector<16xi32>, vector<16xi32>], vector<16xf32>,
              %broadcast_in_dim3A_259 = arith.constant 48 : i32
              %broadcast_in_dim3A_260 = vector.broadcast %broadcast_in_dim3A_259 : i32 to vector<16xi32>
              %add3A_261 = arith.addi %broadcast_in_dim3A_260, %iota3A : vector<16xi32>
              %gather3A_262 = tpu.vector_load_idx %arg9[%add3A_261, %add3A_236] : memref<128x512xf32, #tpu.memory_space<vmem>>[vector<16xi32>, vector<16xi32>], vector<16xf32>,
              %add3A_263 = arith.constant 48 : i32
              %add3A_264 = vector.broadcast %add3A_263 : i32 to vector<16xi32>
              %add3A_265 = arith.addi %iota3A, %add3A_264 : vector<16xi32>
              tpu.vector_store_idx %arg10[%broadcast_in_dim3A_237, %add3A_265], %gather3A_262 : memref<96x128xf32, #tpu.memory_space<vmem>>[vector<16xi32>, vector<16xi32>], vector<16xf32>,
              tpu.vector_store_idx %arg11[%broadcast_in_dim3A_1, %broadcast_in_dim3A_237], %gather3A_224 masked %eq3A_19 : memref<1x96xi32, #tpu.memory_space<vmem>>[vector<16xi32>, vector<16xi32>], vector<16xi32>, vector<16xi1>
              %ne3A = arith.cmpi ne, %iota3A, %all_reduce_ffs3A : vector<16xi32>
              %and3A_266 = arith.andi %while3A_218, %ne3A : vector<16xi1>
              %add3A_267 = arith.constant 1 : i32
              %add3A_268 = arith.addi %while3A_219, %add3A_267 : i32
              scf.yield %and3A_266, %add3A_268 : vector<16xi1>, i32
            }
            scf.yield %while3A_217#1 : i32
          } else {
            scf.yield %select_n3A : i32
          }
          scf.yield %cond3A_216 : i32
        }
        scf.yield %while3A_190 : i32
      } else {
        scf.yield %while3A_118 : i32
      }
      %mul3A_131 = arith.constant 2 : i32
      %mul3A_132 = arith.muli %while3A_117, %mul3A_131 : i32
      %add3A_133 = arith.constant 1 : i32
      %add3A_134 = arith.addi %mul3A_132, %add3A_133 : i32
      %add3A_135 = arith.constant 1 : i32
      %add3A_136 = arith.addi %add3A_134, %add3A_135 : i32
      %lt3A_137 = arith.cmpi slt, %add3A_136, %div3A_73 : i32
      %convert_element_type3A_138 = arith.extui %lt3A_137 : i1 to i32
      %cond3A_139 = arith.constant 0 : i32
      %cond3A_140 = arith.cmpi ne, %convert_element_type3A_138, %cond3A_139 : i32
      scf.if %cond3A_140 {
        %add3A_146 = arith.constant 1 : i32
        %add3A_147 = arith.addi %add3A_134, %add3A_146 : i32
        %mul3A_148 = arith.constant 4 : i32
        %mul3A_149 = arith.muli %add3A_147, %mul3A_148 : i32
        %add3A_150 = arith.addi %mul3A_3, %mul3A_149 : i32
        %min3A_151 = arith.constant 7809 : i32
        %min3A_152 = arith.minsi %add3A_150, %min3A_151 : i32
        %mul3A_153 = arith.constant 128 : i32
        %mul3A_154 = arith.muli %min3A_152, %mul3A_153 : i32
        %multiple_of3A_155 = tpu.assume_multiple %mul3A_154, 128 : i32
        %dma_start3A_156 = arith.constant 0 : i32
        %dma_start3A_157 = arith.constant 0 : i32
        %dma_start3A_158 = tpu.memref_slice %arg9[%dma_start3A_156, %dma_start3A_157] : memref<128x512xf32, #tpu.memory_space<vmem>> -> memref<64x512xf32, #tpu.memory_space<vmem>>
        %dma_start3A_159 = arith.constant 0 : i32
        %dma_start3A_160 = tpu.memref_slice %arg2[%dma_start3A_159, %multiple_of3A_155] : memref<64x1000001xf32, #tpu.memory_space<hbm>> -> memref<64x512xf32, #tpu.memory_space<hbm>>
        %dma_start3A_161 = arith.constant 0 : i32
        %dma_start3A_162 = arith.constant 0 : i32
        %dma_start3A_163 = tpu.memref_slice %arg9[%dma_start3A_161, %dma_start3A_162] : memref<128x512xf32, #tpu.memory_space<vmem>> -> memref<64x512xf32, #tpu.memory_space<vmem>>
        %dma_start3A_164 = arith.constant 0 : i32
        %dma_start3A_165 = tpu.memref_slice %arg2[%dma_start3A_164, %multiple_of3A_155] : memref<64x1000001xf32, #tpu.memory_space<hbm>> -> memref<64x512xf32, #tpu.memory_space<hbm>>
        tpu.enqueue_dma source(%dma_start3A_165 : memref<64x512xf32, #tpu.memory_space<hbm>>) target(%dma_start3A_163 : memref<64x512xf32, #tpu.memory_space<vmem>>) target_semaphore(%arg12 : memref<!tpu.dma_semaphore, #tpu.memory_space<semaphore_mem>>)
      } else {
      }
      %lt3A_141 = arith.cmpi slt, %add3A_134, %div3A_73 : i32
      %convert_element_type3A_142 = arith.extui %lt3A_141 : i1 to i32
      %cond3A_143 = arith.constant 0 : i32
      %cond3A_144 = arith.cmpi ne, %convert_element_type3A_142, %cond3A_143 : i32
      %cond3A_145 = scf.if %cond3A_144 -> (i32) {
        %dma_wait3A_146 = arith.constant 64 : i32
        %dma_wait3A_147 = arith.constant 0 : i32
        %dma_wait3A_148 = tpu.memref_slice %arg9[%dma_wait3A_146, %dma_wait3A_147] : memref<128x512xf32, #tpu.memory_space<vmem>> -> memref<64x512xf32, #tpu.memory_space<vmem>>
        %dma_wait3A_149 = arith.constant 0 : i32
        %dma_wait3A_150 = arith.constant 0 : i32
        %dma_wait3A_151 = tpu.memref_slice %arg2[%dma_wait3A_149, %dma_wait3A_150] : memref<64x1000001xf32, #tpu.memory_space<hbm>> -> memref<64x512xf32, #tpu.memory_space<hbm>>
        %dma_wait3A_152 = arith.constant 64 : i32
        %dma_wait3A_153 = arith.constant 0 : i32
        %dma_wait3A_154 = tpu.memref_slice %arg9[%dma_wait3A_152, %dma_wait3A_153] : memref<128x512xf32, #tpu.memory_space<vmem>> -> memref<64x512xf32, #tpu.memory_space<vmem>>
        %dma_wait3A_155 = arith.constant 0 : i32
        %dma_wait3A_156 = arith.constant 0 : i32
        %dma_wait3A_157 = tpu.memref_slice %arg2[%dma_wait3A_155, %dma_wait3A_156] : memref<64x1000001xf32, #tpu.memory_space<hbm>> -> memref<64x512xf32, #tpu.memory_space<hbm>>
        tpu.wait_dma2 semaphore(%arg13 : memref<!tpu.dma_semaphore, #tpu.memory_space<semaphore_mem>>) src(%dma_wait3A_157 : memref<64x512xf32, #tpu.memory_space<hbm>>) dst(%dma_wait3A_154 : memref<64x512xf32, #tpu.memory_space<vmem>>)
        %mul3A_158 = arith.constant 4 : i32
        %mul3A_159 = arith.muli %add3A_134, %mul3A_158 : i32
        %add3A_160 = arith.addi %mul3A_3, %mul3A_159 : i32
        %broadcast_in_dim3A_161 = vector.broadcast %add3A_160 : i32 to vector<16xi32>
        %min3A_162 = arith.constant 7809 : i32
        %min3A_163 = vector.broadcast %min3A_162 : i32 to vector<16xi32>
        %min3A_164 = arith.minsi %broadcast_in_dim3A_161, %min3A_163 : vector<16xi32>
        %mul3A_165 = arith.constant 4 : i32
        %mul3A_166 = arith.muli %add3A_134, %mul3A_165 : i32
        %broadcast_in_dim3A_167 = vector.broadcast %mul3A_166 : i32 to vector<16xi32>
        %div3A_168 = arith.constant 16 : i32
        %div3A_169 = vector.broadcast %div3A_168 : i32 to vector<16xi32>
        %div3A_170 = arith.divsi %broadcast_in_dim3A_167, %div3A_169 : vector<16xi32>
        %gather3A = tpu.vector_load_idx %arg8[%broadcast_in_dim3A_1, %div3A_170] : memref<1x32xi32, #tpu.memory_space<vmem>>[vector<16xi32>, vector<16xi32>], vector<16xi32>,
        %slice3A = vector.extract_strided_slice %gather3A {offsets = [0], sizes = [1], strides = [1]} : vector<16xi32> to vector<1xi32>
        %squeeze3A = vector.extract %slice3A[0] : i32 from vector<1xi32>
        %add3A_171 = arith.constant 1 : i32
        %add3A_172 = vector.broadcast %add3A_171 : i32 to vector<16xi32>
        %add3A_173 = arith.addi %div3A_170, %add3A_172 : vector<16xi32>
        %gather3A_174 = tpu.vector_load_idx %arg8[%broadcast_in_dim3A_1, %add3A_173] : memref<1x32xi32, #tpu.memory_space<vmem>>[vector<16xi32>, vector<16xi32>], vector<16xi32>,
        %slice3A_175 = vector.extract_strided_slice %gather3A_174 {offsets = [0], sizes = [1], strides = [1]} : vector<16xi32> to vector<1xi32>
        %squeeze3A_176 = vector.extract %slice3A_175[0] : i32 from vector<1xi32>
        %div3A_177 = arith.constant 16 : i32
        %div3A_178 = arith.divsi %squeeze3A, %div3A_177 : i32
        %div3A_179 = arith.constant 16 : i32
        %div3A_180 = arith.divsi %squeeze3A_176, %div3A_179 : i32
        %while3A_181 = arith.subi %div3A_180, %div3A_178 : i32
        %while3A_182 = arith.addi %div3A_178, %while3A_181 : i32
        %while3A_183 = arith.constant 1 : i32
        %while3A_184 = arith.divsi %while3A_181, %while3A_183 : i32
        %while3A_185 = arith.muli %while3A_184, %while3A_183 : i32
        %while3A_186 = arith.addi %div3A_178, %while3A_185 : i32
        %while3A_187 = arith.constant 1 : i32
        %while3A_188 = scf.for %while3A_191 = %div3A_178 to %while3A_186 step %while3A_187 iter_args(%while3A_192 = %cond3A_130) -> (i32)  : i32 {
          %ge3A = arith.constant 80 : i32
          %ge3A_193 = arith.cmpi sge, %while3A_192, %ge3A : i32
          %convert_element_type3A_194 = arith.extui %ge3A_193 : i1 to i32
          %cond3A_195 = arith.constant 0 : i32
          %cond3A_196 = arith.cmpi ne, %convert_element_type3A_194, %cond3A_195 : i32
          scf.if %cond3A_196 {
            %dma_start3A_217 = arith.constant 0 : i32
            %dma_start3A_218 = arith.constant 0 : i32
            %dma_start3A_219 = tpu.memref_slice %arg11[%dma_start3A_217, %dma_start3A_218] : memref<1x96xi32, #tpu.memory_space<vmem>> -> memref<1x96xi32, #tpu.memory_space<vmem>>
            %dma_start3A_220 = tpu.memref_squeeze %dma_start3A_219 : memref<1x96xi32, #tpu.memory_space<vmem>> -> memref<96xi32, #tpu.memory_space<vmem>>
            %dma_start3A_221 = arith.constant 0 : i32
            %dma_start3A_222 = arith.constant 0 : i32
            %dma_start3A_223 = tpu.memref_slice %arg4[%dma_start3A_221, %dma_start3A_222] : memref<16416x128xf32, #tpu.memory_space<hbm>> -> memref<16416x128xf32, #tpu.memory_space<hbm>>
            tpu.enqueue_indirect_dma source(%arg10 : memref<96x128xf32, #tpu.memory_space<vmem>>) target(%dma_start3A_223 : memref<16416x128xf32, #tpu.memory_space<hbm>>) offsets(%dma_start3A_220 : memref<96xi32, #tpu.memory_space<vmem>>) semaphore(%arg14 : memref<!tpu.dma_semaphore, #tpu.memory_space<semaphore_mem>>)
            %dma_wait3A_224 = arith.constant 0 : i32
            %dma_wait3A_225 = arith.constant 0 : i32
            %dma_wait3A_226 = tpu.memref_slice %arg11[%dma_wait3A_224, %dma_wait3A_225] : memref<1x96xi32, #tpu.memory_space<vmem>> -> memref<1x96xi32, #tpu.memory_space<vmem>>
            %dma_wait3A_227 = tpu.memref_squeeze %dma_wait3A_226 : memref<1x96xi32, #tpu.memory_space<vmem>> -> memref<96xi32, #tpu.memory_space<vmem>>
            %dma_wait3A_228 = arith.constant 0 : i32
            %dma_wait3A_229 = arith.constant 0 : i32
            %dma_wait3A_230 = tpu.memref_slice %arg4[%dma_wait3A_228, %dma_wait3A_229] : memref<16416x128xf32, #tpu.memory_space<hbm>> -> memref<16416x128xf32, #tpu.memory_space<hbm>>
            tpu.wait_indirect_dma semaphore(%arg14 : memref<!tpu.dma_semaphore, #tpu.memory_space<semaphore_mem>>) src(%arg10 : memref<96x128xf32, #tpu.memory_space<vmem>>) dst(%dma_wait3A_230 : memref<16416x128xf32, #tpu.memory_space<hbm>>)
            %swap3A_231 = arith.constant 0 : i32
            %swap3A_232 = arith.index_cast %swap3A_231 : i32 to index
            %swap3A_233 = arith.constant 0 : index
            %swap3A_234 = tpu.vector_load %arg11[%swap3A_232, %swap3A_233] {strides = array<i32>} : memref<1x96xi32, #tpu.memory_space<vmem>>, vector<16xi32>,
            tpu.vector_store %arg11[%swap3A_232, %swap3A_233], %broadcast_in_dim3A_15 {strides = array<i32>} : memref<1x96xi32, #tpu.memory_space<vmem>>, vector<16xi32>,
            %swap3A_235 = arith.constant 0 : i32
            %swap3A_236 = arith.index_cast %swap3A_235 : i32 to index
            %swap3A_237 = arith.constant 16 : index
            %swap3A_238 = tpu.vector_load %arg11[%swap3A_236, %swap3A_237] {strides = array<i32>} : memref<1x96xi32, #tpu.memory_space<vmem>>, vector<16xi32>,
            tpu.vector_store %arg11[%swap3A_236, %swap3A_237], %broadcast_in_dim3A_15 {strides = array<i32>} : memref<1x96xi32, #tpu.memory_space<vmem>>, vector<16xi32>,
            %swap3A_239 = arith.constant 0 : i32
            %swap3A_240 = arith.index_cast %swap3A_239 : i32 to index
            %swap3A_241 = arith.constant 32 : index
            %swap3A_242 = tpu.vector_load %arg11[%swap3A_240, %swap3A_241] {strides = array<i32>} : memref<1x96xi32, #tpu.memory_space<vmem>>, vector<16xi32>,
            tpu.vector_store %arg11[%swap3A_240, %swap3A_241], %broadcast_in_dim3A_15 {strides = array<i32>} : memref<1x96xi32, #tpu.memory_space<vmem>>, vector<16xi32>,
            %swap3A_243 = arith.constant 0 : i32
            %swap3A_244 = arith.index_cast %swap3A_243 : i32 to index
            %swap3A_245 = arith.constant 48 : index
            %swap3A_246 = tpu.vector_load %arg11[%swap3A_244, %swap3A_245] {strides = array<i32>} : memref<1x96xi32, #tpu.memory_space<vmem>>, vector<16xi32>,
            tpu.vector_store %arg11[%swap3A_244, %swap3A_245], %broadcast_in_dim3A_15 {strides = array<i32>} : memref<1x96xi32, #tpu.memory_space<vmem>>, vector<16xi32>,
            %swap3A_247 = arith.constant 0 : i32
            %swap3A_248 = arith.index_cast %swap3A_247 : i32 to index
            %swap3A_249 = arith.constant 64 : index
            %swap3A_250 = tpu.vector_load %arg11[%swap3A_248, %swap3A_249] {strides = array<i32>} : memref<1x96xi32, #tpu.memory_space<vmem>>, vector<16xi32>,
            tpu.vector_store %arg11[%swap3A_248, %swap3A_249], %broadcast_in_dim3A_15 {strides = array<i32>} : memref<1x96xi32, #tpu.memory_space<vmem>>, vector<16xi32>,
            %swap3A_251 = arith.constant 0 : i32
            %swap3A_252 = arith.index_cast %swap3A_251 : i32 to index
            %swap3A_253 = arith.constant 80 : index
            %swap3A_254 = tpu.vector_load %arg11[%swap3A_252, %swap3A_253] {strides = array<i32>} : memref<1x96xi32, #tpu.memory_space<vmem>>, vector<16xi32>,
            tpu.vector_store %arg11[%swap3A_252, %swap3A_253], %broadcast_in_dim3A_15 {strides = array<i32>} : memref<1x96xi32, #tpu.memory_space<vmem>>, vector<16xi32>,
          } else {
          }
          %jit3A = arith.constant 0 : i32
          %select_n3A = arith.select %ge3A_193, %jit3A, %while3A_192 : i32
          %mul3A_197 = arith.constant 16 : i32
          %mul3A_198 = arith.muli %while3A_191, %mul3A_197 : i32
          %get3A = arith.index_cast %mul3A_198 : i32 to index
          %get3A_199 = tpu.vector_load %arg7[%get3A] {strides = array<i32>} : memref<16640xi32, #tpu.memory_space<vmem>>, vector<16xi32>,
          %gather3A_200 = tpu.vector_load_idx %arg5[%get3A_199] : memref<16400xi32, #tpu.memory_space<vmem>>[vector<16xi32>], vector<16xi32>,
          %shift_right_logical3A = arith.constant 7 : i32
          %shift_right_logical3A_201 = vector.broadcast %shift_right_logical3A : i32 to vector<16xi32>
          %shift_right_logical3A_202 = arith.shrui %gather3A_200, %shift_right_logical3A_201 : vector<16xi32>
          %sub3A_203 = arith.subi %shift_right_logical3A_202, %broadcast_in_dim3A_161 : vector<16xi32>
          %ge3A_204 = arith.constant 0 : i32
          %ge3A_205 = vector.broadcast %ge3A_204 : i32 to vector<16xi32>
          %ge3A_206 = arith.cmpi sge, %sub3A_203, %ge3A_205 : vector<16xi32>
          %lt3A_207 = arith.constant 4 : i32
          %lt3A_208 = vector.broadcast %lt3A_207 : i32 to vector<16xi32>
          %lt3A_209 = arith.cmpi slt, %sub3A_203, %lt3A_208 : vector<16xi32>
          %and3A = arith.andi %ge3A_206, %lt3A_209 : vector<16xi1>
          %all_reduce_population_count3A = tpu.all_reduce %and3A {dim = 0 : i64, kind = #tpu.reduction_kind<sum>} : vector<16xi1> -> vector<16xi32>
          %slice3A_210 = vector.extract_strided_slice %all_reduce_population_count3A {offsets = [0], sizes = [1], strides = [1]} : vector<16xi32> to vector<1xi32>
          %squeeze3A_211 = vector.extract %slice3A_210[0] : i32 from vector<1xi32>
          %gt3A = arith.constant 0 : i32
          %gt3A_212 = arith.cmpi sgt, %squeeze3A_211, %gt3A : i32
          %convert_element_type3A_213 = arith.extui %gt3A_212 : i1 to i32
          %cond3A_214 = arith.constant 0 : i32
          %cond3A_215 = arith.cmpi ne, %convert_element_type3A_213, %cond3A_214 : i32
          %cond3A_216 = scf.if %cond3A_215 -> (i32) {
            %while3A_217:2 = scf.while (%while3A_218 = %and3A, %while3A_219 = %select_n3A) : (vector<16xi1>, i32) -> (vector<16xi1>, i32) {
              %all_reduce_population_count3A_220 = tpu.all_reduce %while3A_218 {dim = 0 : i64, kind = #tpu.reduction_kind<sum>} : vector<16xi1> -> vector<16xi32>
              %slice3A_221 = vector.extract_strided_slice %all_reduce_population_count3A_220 {offsets = [0], sizes = [1], strides = [1]} : vector<16xi32> to vector<1xi32>
              %squeeze3A_222 = vector.extract %slice3A_221[0] : i32 from vector<1xi32>
              %gt3A_223 = arith.constant 0 : i32
              %gt3A_224 = arith.cmpi sgt, %squeeze3A_222, %gt3A_223 : i32
              scf.condition(%gt3A_224) %while3A_218, %while3A_219 : vector<16xi1>, i32
            } do {
            ^bb0(%while3A_218: vector<16xi1>, %while3A_219: i32):
              %all_reduce_ffs3A = tpu.all_reduce %while3A_218 {dim = 0 : i64, kind = #tpu.reduction_kind<find_first_set>} : vector<16xi1> -> vector<16xi32>
              %mul3A_220 = arith.constant 16 : i32
              %mul3A_221 = arith.muli %while3A_191, %mul3A_220 : i32
              %broadcast_in_dim3A_222 = vector.broadcast %mul3A_221 : i32 to vector<16xi32>
              %add3A_223 = arith.addi %broadcast_in_dim3A_222, %all_reduce_ffs3A : vector<16xi32>
              %gather3A_224 = tpu.vector_load_idx %arg7[%add3A_223] : memref<16640xi32, #tpu.memory_space<vmem>>[vector<16xi32>], vector<16xi32>,
              %gather3A_225 = tpu.vector_load_idx %arg5[%gather3A_224] : memref<16400xi32, #tpu.memory_space<vmem>>[vector<16xi32>], vector<16xi32>,
              %shift_right_logical3A_226 = arith.constant 7 : i32
              %shift_right_logical3A_227 = vector.broadcast %shift_right_logical3A_226 : i32 to vector<16xi32>
              %shift_right_logical3A_228 = arith.shrui %gather3A_225, %shift_right_logical3A_227 : vector<16xi32>
              %sub3A_229 = arith.subi %shift_right_logical3A_228, %min3A_164 : vector<16xi32>
              %and3A_230 = arith.constant 127 : i32
              %and3A_231 = vector.broadcast %and3A_230 : i32 to vector<16xi32>
              %and3A_232 = arith.andi %gather3A_225, %and3A_231 : vector<16xi32>
              %mul3A_233 = arith.constant 128 : i32
              %mul3A_234 = vector.broadcast %mul3A_233 : i32 to vector<16xi32>
              %mul3A_235 = arith.muli %sub3A_229, %mul3A_234 : vector<16xi32>
              %add3A_236 = arith.addi %and3A_232, %mul3A_235 : vector<16xi32>
              %broadcast_in_dim3A_237 = vector.broadcast %while3A_219 : i32 to vector<16xi32>
              %broadcast_in_dim3A_238 = arith.constant 64 : i32
              %broadcast_in_dim3A_239 = vector.broadcast %broadcast_in_dim3A_238 : i32 to vector<16xi32>
              %add3A_240 = arith.addi %broadcast_in_dim3A_239, %iota3A : vector<16xi32>
              %gather3A_241 = tpu.vector_load_idx %arg9[%add3A_240, %add3A_236] : memref<128x512xf32, #tpu.memory_space<vmem>>[vector<16xi32>, vector<16xi32>], vector<16xf32>,
              %add3A_242 = arith.constant 0 : i32
              %add3A_243 = vector.broadcast %add3A_242 : i32 to vector<16xi32>
              %add3A_244 = arith.addi %iota3A, %add3A_243 : vector<16xi32>
              tpu.vector_store_idx %arg10[%broadcast_in_dim3A_237, %add3A_244], %gather3A_241 : memref<96x128xf32, #tpu.memory_space<vmem>>[vector<16xi32>, vector<16xi32>], vector<16xf32>,
              %broadcast_in_dim3A_245 = arith.constant 80 : i32
              %broadcast_in_dim3A_246 = vector.broadcast %broadcast_in_dim3A_245 : i32 to vector<16xi32>
              %add3A_247 = arith.addi %broadcast_in_dim3A_246, %iota3A : vector<16xi32>
              %gather3A_248 = tpu.vector_load_idx %arg9[%add3A_247, %add3A_236] : memref<128x512xf32, #tpu.memory_space<vmem>>[vector<16xi32>, vector<16xi32>], vector<16xf32>,
              %add3A_249 = arith.constant 16 : i32
              %add3A_250 = vector.broadcast %add3A_249 : i32 to vector<16xi32>
              %add3A_251 = arith.addi %iota3A, %add3A_250 : vector<16xi32>
              tpu.vector_store_idx %arg10[%broadcast_in_dim3A_237, %add3A_251], %gather3A_248 : memref<96x128xf32, #tpu.memory_space<vmem>>[vector<16xi32>, vector<16xi32>], vector<16xf32>,
              %broadcast_in_dim3A_252 = arith.constant 96 : i32
              %broadcast_in_dim3A_253 = vector.broadcast %broadcast_in_dim3A_252 : i32 to vector<16xi32>
              %add3A_254 = arith.addi %broadcast_in_dim3A_253, %iota3A : vector<16xi32>
              %gather3A_255 = tpu.vector_load_idx %arg9[%add3A_254, %add3A_236] : memref<128x512xf32, #tpu.memory_space<vmem>>[vector<16xi32>, vector<16xi32>], vector<16xf32>,
              %add3A_256 = arith.constant 32 : i32
              %add3A_257 = vector.broadcast %add3A_256 : i32 to vector<16xi32>
              %add3A_258 = arith.addi %iota3A, %add3A_257 : vector<16xi32>
              tpu.vector_store_idx %arg10[%broadcast_in_dim3A_237, %add3A_258], %gather3A_255 : memref<96x128xf32, #tpu.memory_space<vmem>>[vector<16xi32>, vector<16xi32>], vector<16xf32>,
              %broadcast_in_dim3A_259 = arith.constant 112 : i32
              %broadcast_in_dim3A_260 = vector.broadcast %broadcast_in_dim3A_259 : i32 to vector<16xi32>
              %add3A_261 = arith.addi %broadcast_in_dim3A_260, %iota3A : vector<16xi32>
              %gather3A_262 = tpu.vector_load_idx %arg9[%add3A_261, %add3A_236] : memref<128x512xf32, #tpu.memory_space<vmem>>[vector<16xi32>, vector<16xi32>], vector<16xf32>,
              %add3A_263 = arith.constant 48 : i32
              %add3A_264 = vector.broadcast %add3A_263 : i32 to vector<16xi32>
              %add3A_265 = arith.addi %iota3A, %add3A_264 : vector<16xi32>
              tpu.vector_store_idx %arg10[%broadcast_in_dim3A_237, %add3A_265], %gather3A_262 : memref<96x128xf32, #tpu.memory_space<vmem>>[vector<16xi32>, vector<16xi32>], vector<16xf32>,
              tpu.vector_store_idx %arg11[%broadcast_in_dim3A_1, %broadcast_in_dim3A_237], %gather3A_224 masked %eq3A_19 : memref<1x96xi32, #tpu.memory_space<vmem>>[vector<16xi32>, vector<16xi32>], vector<16xi32>, vector<16xi1>
              %ne3A = arith.cmpi ne, %iota3A, %all_reduce_ffs3A : vector<16xi32>
              %and3A_266 = arith.andi %while3A_218, %ne3A : vector<16xi1>
              %add3A_267 = arith.constant 1 : i32
              %add3A_268 = arith.addi %while3A_219, %add3A_267 : i32
              scf.yield %and3A_266, %add3A_268 : vector<16xi1>, i32
            }
            scf.yield %while3A_217#1 : i32
          } else {
            scf.yield %select_n3A : i32
          }
          scf.yield %cond3A_216 : i32
        }
        %while3A_189 = arith.constant 1 : i32
        %while3A_190 = scf.for %while3A_191 = %while3A_186 to %while3A_182 step %while3A_189 iter_args(%while3A_192 = %while3A_188) -> (i32)  : i32 {
          %ge3A = arith.constant 80 : i32
          %ge3A_193 = arith.cmpi sge, %while3A_192, %ge3A : i32
          %convert_element_type3A_194 = arith.extui %ge3A_193 : i1 to i32
          %cond3A_195 = arith.constant 0 : i32
          %cond3A_196 = arith.cmpi ne, %convert_element_type3A_194, %cond3A_195 : i32
          scf.if %cond3A_196 {
            %dma_start3A_217 = arith.constant 0 : i32
            %dma_start3A_218 = arith.constant 0 : i32
            %dma_start3A_219 = tpu.memref_slice %arg11[%dma_start3A_217, %dma_start3A_218] : memref<1x96xi32, #tpu.memory_space<vmem>> -> memref<1x96xi32, #tpu.memory_space<vmem>>
            %dma_start3A_220 = tpu.memref_squeeze %dma_start3A_219 : memref<1x96xi32, #tpu.memory_space<vmem>> -> memref<96xi32, #tpu.memory_space<vmem>>
            %dma_start3A_221 = arith.constant 0 : i32
            %dma_start3A_222 = arith.constant 0 : i32
            %dma_start3A_223 = tpu.memref_slice %arg4[%dma_start3A_221, %dma_start3A_222] : memref<16416x128xf32, #tpu.memory_space<hbm>> -> memref<16416x128xf32, #tpu.memory_space<hbm>>
            tpu.enqueue_indirect_dma source(%arg10 : memref<96x128xf32, #tpu.memory_space<vmem>>) target(%dma_start3A_223 : memref<16416x128xf32, #tpu.memory_space<hbm>>) offsets(%dma_start3A_220 : memref<96xi32, #tpu.memory_space<vmem>>) semaphore(%arg14 : memref<!tpu.dma_semaphore, #tpu.memory_space<semaphore_mem>>)
            %dma_wait3A_224 = arith.constant 0 : i32
            %dma_wait3A_225 = arith.constant 0 : i32
            %dma_wait3A_226 = tpu.memref_slice %arg11[%dma_wait3A_224, %dma_wait3A_225] : memref<1x96xi32, #tpu.memory_space<vmem>> -> memref<1x96xi32, #tpu.memory_space<vmem>>
            %dma_wait3A_227 = tpu.memref_squeeze %dma_wait3A_226 : memref<1x96xi32, #tpu.memory_space<vmem>> -> memref<96xi32, #tpu.memory_space<vmem>>
            %dma_wait3A_228 = arith.constant 0 : i32
            %dma_wait3A_229 = arith.constant 0 : i32
            %dma_wait3A_230 = tpu.memref_slice %arg4[%dma_wait3A_228, %dma_wait3A_229] : memref<16416x128xf32, #tpu.memory_space<hbm>> -> memref<16416x128xf32, #tpu.memory_space<hbm>>
            tpu.wait_indirect_dma semaphore(%arg14 : memref<!tpu.dma_semaphore, #tpu.memory_space<semaphore_mem>>) src(%arg10 : memref<96x128xf32, #tpu.memory_space<vmem>>) dst(%dma_wait3A_230 : memref<16416x128xf32, #tpu.memory_space<hbm>>)
            %swap3A_231 = arith.constant 0 : i32
            %swap3A_232 = arith.index_cast %swap3A_231 : i32 to index
            %swap3A_233 = arith.constant 0 : index
            %swap3A_234 = tpu.vector_load %arg11[%swap3A_232, %swap3A_233] {strides = array<i32>} : memref<1x96xi32, #tpu.memory_space<vmem>>, vector<16xi32>,
            tpu.vector_store %arg11[%swap3A_232, %swap3A_233], %broadcast_in_dim3A_15 {strides = array<i32>} : memref<1x96xi32, #tpu.memory_space<vmem>>, vector<16xi32>,
            %swap3A_235 = arith.constant 0 : i32
            %swap3A_236 = arith.index_cast %swap3A_235 : i32 to index
            %swap3A_237 = arith.constant 16 : index
            %swap3A_238 = tpu.vector_load %arg11[%swap3A_236, %swap3A_237] {strides = array<i32>} : memref<1x96xi32, #tpu.memory_space<vmem>>, vector<16xi32>,
            tpu.vector_store %arg11[%swap3A_236, %swap3A_237], %broadcast_in_dim3A_15 {strides = array<i32>} : memref<1x96xi32, #tpu.memory_space<vmem>>, vector<16xi32>,
            %swap3A_239 = arith.constant 0 : i32
            %swap3A_240 = arith.index_cast %swap3A_239 : i32 to index
            %swap3A_241 = arith.constant 32 : index
            %swap3A_242 = tpu.vector_load %arg11[%swap3A_240, %swap3A_241] {strides = array<i32>} : memref<1x96xi32, #tpu.memory_space<vmem>>, vector<16xi32>,
            tpu.vector_store %arg11[%swap3A_240, %swap3A_241], %broadcast_in_dim3A_15 {strides = array<i32>} : memref<1x96xi32, #tpu.memory_space<vmem>>, vector<16xi32>,
            %swap3A_243 = arith.constant 0 : i32
            %swap3A_244 = arith.index_cast %swap3A_243 : i32 to index
            %swap3A_245 = arith.constant 48 : index
            %swap3A_246 = tpu.vector_load %arg11[%swap3A_244, %swap3A_245] {strides = array<i32>} : memref<1x96xi32, #tpu.memory_space<vmem>>, vector<16xi32>,
            tpu.vector_store %arg11[%swap3A_244, %swap3A_245], %broadcast_in_dim3A_15 {strides = array<i32>} : memref<1x96xi32, #tpu.memory_space<vmem>>, vector<16xi32>,
            %swap3A_247 = arith.constant 0 : i32
            %swap3A_248 = arith.index_cast %swap3A_247 : i32 to index
            %swap3A_249 = arith.constant 64 : index
            %swap3A_250 = tpu.vector_load %arg11[%swap3A_248, %swap3A_249] {strides = array<i32>} : memref<1x96xi32, #tpu.memory_space<vmem>>, vector<16xi32>,
            tpu.vector_store %arg11[%swap3A_248, %swap3A_249], %broadcast_in_dim3A_15 {strides = array<i32>} : memref<1x96xi32, #tpu.memory_space<vmem>>, vector<16xi32>,
            %swap3A_251 = arith.constant 0 : i32
            %swap3A_252 = arith.index_cast %swap3A_251 : i32 to index
            %swap3A_253 = arith.constant 80 : index
            %swap3A_254 = tpu.vector_load %arg11[%swap3A_252, %swap3A_253] {strides = array<i32>} : memref<1x96xi32, #tpu.memory_space<vmem>>, vector<16xi32>,
            tpu.vector_store %arg11[%swap3A_252, %swap3A_253], %broadcast_in_dim3A_15 {strides = array<i32>} : memref<1x96xi32, #tpu.memory_space<vmem>>, vector<16xi32>,
          } else {
          }
          %jit3A = arith.constant 0 : i32
          %select_n3A = arith.select %ge3A_193, %jit3A, %while3A_192 : i32
          %mul3A_197 = arith.constant 16 : i32
          %mul3A_198 = arith.muli %while3A_191, %mul3A_197 : i32
          %get3A = arith.index_cast %mul3A_198 : i32 to index
          %get3A_199 = tpu.vector_load %arg7[%get3A] {strides = array<i32>} : memref<16640xi32, #tpu.memory_space<vmem>>, vector<16xi32>,
          %gather3A_200 = tpu.vector_load_idx %arg5[%get3A_199] : memref<16400xi32, #tpu.memory_space<vmem>>[vector<16xi32>], vector<16xi32>,
          %shift_right_logical3A = arith.constant 7 : i32
          %shift_right_logical3A_201 = vector.broadcast %shift_right_logical3A : i32 to vector<16xi32>
          %shift_right_logical3A_202 = arith.shrui %gather3A_200, %shift_right_logical3A_201 : vector<16xi32>
          %sub3A_203 = arith.subi %shift_right_logical3A_202, %broadcast_in_dim3A_161 : vector<16xi32>
          %ge3A_204 = arith.constant 0 : i32
          %ge3A_205 = vector.broadcast %ge3A_204 : i32 to vector<16xi32>
          %ge3A_206 = arith.cmpi sge, %sub3A_203, %ge3A_205 : vector<16xi32>
          %lt3A_207 = arith.constant 4 : i32
          %lt3A_208 = vector.broadcast %lt3A_207 : i32 to vector<16xi32>
          %lt3A_209 = arith.cmpi slt, %sub3A_203, %lt3A_208 : vector<16xi32>
          %and3A = arith.andi %ge3A_206, %lt3A_209 : vector<16xi1>
          %all_reduce_population_count3A = tpu.all_reduce %and3A {dim = 0 : i64, kind = #tpu.reduction_kind<sum>} : vector<16xi1> -> vector<16xi32>
          %slice3A_210 = vector.extract_strided_slice %all_reduce_population_count3A {offsets = [0], sizes = [1], strides = [1]} : vector<16xi32> to vector<1xi32>
          %squeeze3A_211 = vector.extract %slice3A_210[0] : i32 from vector<1xi32>
          %gt3A = arith.constant 0 : i32
          %gt3A_212 = arith.cmpi sgt, %squeeze3A_211, %gt3A : i32
          %convert_element_type3A_213 = arith.extui %gt3A_212 : i1 to i32
          %cond3A_214 = arith.constant 0 : i32
          %cond3A_215 = arith.cmpi ne, %convert_element_type3A_213, %cond3A_214 : i32
          %cond3A_216 = scf.if %cond3A_215 -> (i32) {
            %while3A_217:2 = scf.while (%while3A_218 = %and3A, %while3A_219 = %select_n3A) : (vector<16xi1>, i32) -> (vector<16xi1>, i32) {
              %all_reduce_population_count3A_220 = tpu.all_reduce %while3A_218 {dim = 0 : i64, kind = #tpu.reduction_kind<sum>} : vector<16xi1> -> vector<16xi32>
              %slice3A_221 = vector.extract_strided_slice %all_reduce_population_count3A_220 {offsets = [0], sizes = [1], strides = [1]} : vector<16xi32> to vector<1xi32>
              %squeeze3A_222 = vector.extract %slice3A_221[0] : i32 from vector<1xi32>
              %gt3A_223 = arith.constant 0 : i32
              %gt3A_224 = arith.cmpi sgt, %squeeze3A_222, %gt3A_223 : i32
              scf.condition(%gt3A_224) %while3A_218, %while3A_219 : vector<16xi1>, i32
            } do {
            ^bb0(%while3A_218: vector<16xi1>, %while3A_219: i32):
              %all_reduce_ffs3A = tpu.all_reduce %while3A_218 {dim = 0 : i64, kind = #tpu.reduction_kind<find_first_set>} : vector<16xi1> -> vector<16xi32>
              %mul3A_220 = arith.constant 16 : i32
              %mul3A_221 = arith.muli %while3A_191, %mul3A_220 : i32
              %broadcast_in_dim3A_222 = vector.broadcast %mul3A_221 : i32 to vector<16xi32>
              %add3A_223 = arith.addi %broadcast_in_dim3A_222, %all_reduce_ffs3A : vector<16xi32>
              %gather3A_224 = tpu.vector_load_idx %arg7[%add3A_223] : memref<16640xi32, #tpu.memory_space<vmem>>[vector<16xi32>], vector<16xi32>,
              %gather3A_225 = tpu.vector_load_idx %arg5[%gather3A_224] : memref<16400xi32, #tpu.memory_space<vmem>>[vector<16xi32>], vector<16xi32>,
              %shift_right_logical3A_226 = arith.constant 7 : i32
              %shift_right_logical3A_227 = vector.broadcast %shift_right_logical3A_226 : i32 to vector<16xi32>
              %shift_right_logical3A_228 = arith.shrui %gather3A_225, %shift_right_logical3A_227 : vector<16xi32>
              %sub3A_229 = arith.subi %shift_right_logical3A_228, %min3A_164 : vector<16xi32>
              %and3A_230 = arith.constant 127 : i32
              %and3A_231 = vector.broadcast %and3A_230 : i32 to vector<16xi32>
              %and3A_232 = arith.andi %gather3A_225, %and3A_231 : vector<16xi32>
              %mul3A_233 = arith.constant 128 : i32
              %mul3A_234 = vector.broadcast %mul3A_233 : i32 to vector<16xi32>
              %mul3A_235 = arith.muli %sub3A_229, %mul3A_234 : vector<16xi32>
              %add3A_236 = arith.addi %and3A_232, %mul3A_235 : vector<16xi32>
              %broadcast_in_dim3A_237 = vector.broadcast %while3A_219 : i32 to vector<16xi32>
              %broadcast_in_dim3A_238 = arith.constant 64 : i32
              %broadcast_in_dim3A_239 = vector.broadcast %broadcast_in_dim3A_238 : i32 to vector<16xi32>
              %add3A_240 = arith.addi %broadcast_in_dim3A_239, %iota3A : vector<16xi32>
              %gather3A_241 = tpu.vector_load_idx %arg9[%add3A_240, %add3A_236] : memref<128x512xf32, #tpu.memory_space<vmem>>[vector<16xi32>, vector<16xi32>], vector<16xf32>,
              %add3A_242 = arith.constant 0 : i32
              %add3A_243 = vector.broadcast %add3A_242 : i32 to vector<16xi32>
              %add3A_244 = arith.addi %iota3A, %add3A_243 : vector<16xi32>
              tpu.vector_store_idx %arg10[%broadcast_in_dim3A_237, %add3A_244], %gather3A_241 : memref<96x128xf32, #tpu.memory_space<vmem>>[vector<16xi32>, vector<16xi32>], vector<16xf32>,
              %broadcast_in_dim3A_245 = arith.constant 80 : i32
              %broadcast_in_dim3A_246 = vector.broadcast %broadcast_in_dim3A_245 : i32 to vector<16xi32>
              %add3A_247 = arith.addi %broadcast_in_dim3A_246, %iota3A : vector<16xi32>
              %gather3A_248 = tpu.vector_load_idx %arg9[%add3A_247, %add3A_236] : memref<128x512xf32, #tpu.memory_space<vmem>>[vector<16xi32>, vector<16xi32>], vector<16xf32>,
              %add3A_249 = arith.constant 16 : i32
              %add3A_250 = vector.broadcast %add3A_249 : i32 to vector<16xi32>
              %add3A_251 = arith.addi %iota3A, %add3A_250 : vector<16xi32>
              tpu.vector_store_idx %arg10[%broadcast_in_dim3A_237, %add3A_251], %gather3A_248 : memref<96x128xf32, #tpu.memory_space<vmem>>[vector<16xi32>, vector<16xi32>], vector<16xf32>,
              %broadcast_in_dim3A_252 = arith.constant 96 : i32
              %broadcast_in_dim3A_253 = vector.broadcast %broadcast_in_dim3A_252 : i32 to vector<16xi32>
              %add3A_254 = arith.addi %broadcast_in_dim3A_253, %iota3A : vector<16xi32>
              %gather3A_255 = tpu.vector_load_idx %arg9[%add3A_254, %add3A_236] : memref<128x512xf32, #tpu.memory_space<vmem>>[vector<16xi32>, vector<16xi32>], vector<16xf32>,
              %add3A_256 = arith.constant 32 : i32
              %add3A_257 = vector.broadcast %add3A_256 : i32 to vector<16xi32>
              %add3A_258 = arith.addi %iota3A, %add3A_257 : vector<16xi32>
              tpu.vector_store_idx %arg10[%broadcast_in_dim3A_237, %add3A_258], %gather3A_255 : memref<96x128xf32, #tpu.memory_space<vmem>>[vector<16xi32>, vector<16xi32>], vector<16xf32>,
              %broadcast_in_dim3A_259 = arith.constant 112 : i32
              %broadcast_in_dim3A_260 = vector.broadcast %broadcast_in_dim3A_259 : i32 to vector<16xi32>
              %add3A_261 = arith.addi %broadcast_in_dim3A_260, %iota3A : vector<16xi32>
              %gather3A_262 = tpu.vector_load_idx %arg9[%add3A_261, %add3A_236] : memref<128x512xf32, #tpu.memory_space<vmem>>[vector<16xi32>, vector<16xi32>], vector<16xf32>,
              %add3A_263 = arith.constant 48 : i32
              %add3A_264 = vector.broadcast %add3A_263 : i32 to vector<16xi32>
              %add3A_265 = arith.addi %iota3A, %add3A_264 : vector<16xi32>
              tpu.vector_store_idx %arg10[%broadcast_in_dim3A_237, %add3A_265], %gather3A_262 : memref<96x128xf32, #tpu.memory_space<vmem>>[vector<16xi32>, vector<16xi32>], vector<16xf32>,
              tpu.vector_store_idx %arg11[%broadcast_in_dim3A_1, %broadcast_in_dim3A_237], %gather3A_224 masked %eq3A_19 : memref<1x96xi32, #tpu.memory_space<vmem>>[vector<16xi32>, vector<16xi32>], vector<16xi32>, vector<16xi1>
              %ne3A = arith.cmpi ne, %iota3A, %all_reduce_ffs3A : vector<16xi32>
              %and3A_266 = arith.andi %while3A_218, %ne3A : vector<16xi1>
              %add3A_267 = arith.constant 1 : i32
              %add3A_268 = arith.addi %while3A_219, %add3A_267 : i32
              scf.yield %and3A_266, %add3A_268 : vector<16xi1>, i32
            }
            scf.yield %while3A_217#1 : i32
          } else {
            scf.yield %select_n3A : i32
          }
          scf.yield %cond3A_216 : i32
        }
        scf.yield %while3A_190 : i32
      } else {
        scf.yield %cond3A_130 : i32
      }
      scf.yield %cond3A_145 : i32
    }
    %while3A_102 = arith.constant 1 : i32
    %while3A_103 = scf.for %while3A_117 = %while3A_99 to %while3A_95 step %while3A_102 iter_args(%while3A_118 = %while3A_101) -> (i32)  : i32 {
      %mul3A_119 = arith.constant 2 : i32
      %mul3A_120 = arith.muli %while3A_117, %mul3A_119 : i32
      %add3A_121 = arith.constant 0 : i32
      %add3A_122 = arith.addi %mul3A_120, %add3A_121 : i32
      %add3A_123 = arith.constant 1 : i32
      %add3A_124 = arith.addi %add3A_122, %add3A_123 : i32
      %lt3A = arith.cmpi slt, %add3A_124, %div3A_73 : i32
      %convert_element_type3A = arith.extui %lt3A : i1 to i32
      %cond3A = arith.constant 0 : i32
      %cond3A_125 = arith.cmpi ne, %convert_element_type3A, %cond3A : i32
      scf.if %cond3A_125 {
        %add3A_146 = arith.constant 1 : i32
        %add3A_147 = arith.addi %add3A_122, %add3A_146 : i32
        %mul3A_148 = arith.constant 4 : i32
        %mul3A_149 = arith.muli %add3A_147, %mul3A_148 : i32
        %add3A_150 = arith.addi %mul3A_3, %mul3A_149 : i32
        %min3A_151 = arith.constant 7809 : i32
        %min3A_152 = arith.minsi %add3A_150, %min3A_151 : i32
        %mul3A_153 = arith.constant 128 : i32
        %mul3A_154 = arith.muli %min3A_152, %mul3A_153 : i32
        %multiple_of3A_155 = tpu.assume_multiple %mul3A_154, 128 : i32
        %dma_start3A_156 = arith.constant 64 : i32
        %dma_start3A_157 = arith.constant 0 : i32
        %dma_start3A_158 = tpu.memref_slice %arg9[%dma_start3A_156, %dma_start3A_157] : memref<128x512xf32, #tpu.memory_space<vmem>> -> memref<64x512xf32, #tpu.memory_space<vmem>>
        %dma_start3A_159 = arith.constant 0 : i32
        %dma_start3A_160 = tpu.memref_slice %arg2[%dma_start3A_159, %multiple_of3A_155] : memref<64x1000001xf32, #tpu.memory_space<hbm>> -> memref<64x512xf32, #tpu.memory_space<hbm>>
        %dma_start3A_161 = arith.constant 64 : i32
        %dma_start3A_162 = arith.constant 0 : i32
        %dma_start3A_163 = tpu.memref_slice %arg9[%dma_start3A_161, %dma_start3A_162] : memref<128x512xf32, #tpu.memory_space<vmem>> -> memref<64x512xf32, #tpu.memory_space<vmem>>
        %dma_start3A_164 = arith.constant 0 : i32
        %dma_start3A_165 = tpu.memref_slice %arg2[%dma_start3A_164, %multiple_of3A_155] : memref<64x1000001xf32, #tpu.memory_space<hbm>> -> memref<64x512xf32, #tpu.memory_space<hbm>>
        tpu.enqueue_dma source(%dma_start3A_165 : memref<64x512xf32, #tpu.memory_space<hbm>>) target(%dma_start3A_163 : memref<64x512xf32, #tpu.memory_space<vmem>>) target_semaphore(%arg13 : memref<!tpu.dma_semaphore, #tpu.memory_space<semaphore_mem>>)
      } else {
      }
      %lt3A_126 = arith.cmpi slt, %add3A_122, %div3A_73 : i32
      %convert_element_type3A_127 = arith.extui %lt3A_126 : i1 to i32
      %cond3A_128 = arith.constant 0 : i32
      %cond3A_129 = arith.cmpi ne, %convert_element_type3A_127, %cond3A_128 : i32
      %cond3A_130 = scf.if %cond3A_129 -> (i32) {
        %dma_wait3A_146 = arith.constant 0 : i32
        %dma_wait3A_147 = arith.constant 0 : i32
        %dma_wait3A_148 = tpu.memref_slice %arg9[%dma_wait3A_146, %dma_wait3A_147] : memref<128x512xf32, #tpu.memory_space<vmem>> -> memref<64x512xf32, #tpu.memory_space<vmem>>
        %dma_wait3A_149 = arith.constant 0 : i32
        %dma_wait3A_150 = arith.constant 0 : i32
        %dma_wait3A_151 = tpu.memref_slice %arg2[%dma_wait3A_149, %dma_wait3A_150] : memref<64x1000001xf32, #tpu.memory_space<hbm>> -> memref<64x512xf32, #tpu.memory_space<hbm>>
        %dma_wait3A_152 = arith.constant 0 : i32
        %dma_wait3A_153 = arith.constant 0 : i32
        %dma_wait3A_154 = tpu.memref_slice %arg9[%dma_wait3A_152, %dma_wait3A_153] : memref<128x512xf32, #tpu.memory_space<vmem>> -> memref<64x512xf32, #tpu.memory_space<vmem>>
        %dma_wait3A_155 = arith.constant 0 : i32
        %dma_wait3A_156 = arith.constant 0 : i32
        %dma_wait3A_157 = tpu.memref_slice %arg2[%dma_wait3A_155, %dma_wait3A_156] : memref<64x1000001xf32, #tpu.memory_space<hbm>> -> memref<64x512xf32, #tpu.memory_space<hbm>>
        tpu.wait_dma2 semaphore(%arg12 : memref<!tpu.dma_semaphore, #tpu.memory_space<semaphore_mem>>) src(%dma_wait3A_157 : memref<64x512xf32, #tpu.memory_space<hbm>>) dst(%dma_wait3A_154 : memref<64x512xf32, #tpu.memory_space<vmem>>)
        %mul3A_158 = arith.constant 4 : i32
        %mul3A_159 = arith.muli %add3A_122, %mul3A_158 : i32
        %add3A_160 = arith.addi %mul3A_3, %mul3A_159 : i32
        %broadcast_in_dim3A_161 = vector.broadcast %add3A_160 : i32 to vector<16xi32>
        %min3A_162 = arith.constant 7809 : i32
        %min3A_163 = vector.broadcast %min3A_162 : i32 to vector<16xi32>
        %min3A_164 = arith.minsi %broadcast_in_dim3A_161, %min3A_163 : vector<16xi32>
        %mul3A_165 = arith.constant 4 : i32
        %mul3A_166 = arith.muli %add3A_122, %mul3A_165 : i32
        %broadcast_in_dim3A_167 = vector.broadcast %mul3A_166 : i32 to vector<16xi32>
        %div3A_168 = arith.constant 16 : i32
        %div3A_169 = vector.broadcast %div3A_168 : i32 to vector<16xi32>
        %div3A_170 = arith.divsi %broadcast_in_dim3A_167, %div3A_169 : vector<16xi32>
        %gather3A = tpu.vector_load_idx %arg8[%broadcast_in_dim3A_1, %div3A_170] : memref<1x32xi32, #tpu.memory_space<vmem>>[vector<16xi32>, vector<16xi32>], vector<16xi32>,
        %slice3A = vector.extract_strided_slice %gather3A {offsets = [0], sizes = [1], strides = [1]} : vector<16xi32> to vector<1xi32>
        %squeeze3A = vector.extract %slice3A[0] : i32 from vector<1xi32>
        %add3A_171 = arith.constant 1 : i32
        %add3A_172 = vector.broadcast %add3A_171 : i32 to vector<16xi32>
        %add3A_173 = arith.addi %div3A_170, %add3A_172 : vector<16xi32>
        %gather3A_174 = tpu.vector_load_idx %arg8[%broadcast_in_dim3A_1, %add3A_173] : memref<1x32xi32, #tpu.memory_space<vmem>>[vector<16xi32>, vector<16xi32>], vector<16xi32>,
        %slice3A_175 = vector.extract_strided_slice %gather3A_174 {offsets = [0], sizes = [1], strides = [1]} : vector<16xi32> to vector<1xi32>
        %squeeze3A_176 = vector.extract %slice3A_175[0] : i32 from vector<1xi32>
        %div3A_177 = arith.constant 16 : i32
        %div3A_178 = arith.divsi %squeeze3A, %div3A_177 : i32
        %div3A_179 = arith.constant 16 : i32
        %div3A_180 = arith.divsi %squeeze3A_176, %div3A_179 : i32
        %while3A_181 = arith.subi %div3A_180, %div3A_178 : i32
        %while3A_182 = arith.addi %div3A_178, %while3A_181 : i32
        %while3A_183 = arith.constant 1 : i32
        %while3A_184 = arith.divsi %while3A_181, %while3A_183 : i32
        %while3A_185 = arith.muli %while3A_184, %while3A_183 : i32
        %while3A_186 = arith.addi %div3A_178, %while3A_185 : i32
        %while3A_187 = arith.constant 1 : i32
        %while3A_188 = scf.for %while3A_191 = %div3A_178 to %while3A_186 step %while3A_187 iter_args(%while3A_192 = %while3A_118) -> (i32)  : i32 {
          %ge3A = arith.constant 80 : i32
          %ge3A_193 = arith.cmpi sge, %while3A_192, %ge3A : i32
          %convert_element_type3A_194 = arith.extui %ge3A_193 : i1 to i32
          %cond3A_195 = arith.constant 0 : i32
          %cond3A_196 = arith.cmpi ne, %convert_element_type3A_194, %cond3A_195 : i32
          scf.if %cond3A_196 {
            %dma_start3A_217 = arith.constant 0 : i32
            %dma_start3A_218 = arith.constant 0 : i32
            %dma_start3A_219 = tpu.memref_slice %arg11[%dma_start3A_217, %dma_start3A_218] : memref<1x96xi32, #tpu.memory_space<vmem>> -> memref<1x96xi32, #tpu.memory_space<vmem>>
            %dma_start3A_220 = tpu.memref_squeeze %dma_start3A_219 : memref<1x96xi32, #tpu.memory_space<vmem>> -> memref<96xi32, #tpu.memory_space<vmem>>
            %dma_start3A_221 = arith.constant 0 : i32
            %dma_start3A_222 = arith.constant 0 : i32
            %dma_start3A_223 = tpu.memref_slice %arg4[%dma_start3A_221, %dma_start3A_222] : memref<16416x128xf32, #tpu.memory_space<hbm>> -> memref<16416x128xf32, #tpu.memory_space<hbm>>
            tpu.enqueue_indirect_dma source(%arg10 : memref<96x128xf32, #tpu.memory_space<vmem>>) target(%dma_start3A_223 : memref<16416x128xf32, #tpu.memory_space<hbm>>) offsets(%dma_start3A_220 : memref<96xi32, #tpu.memory_space<vmem>>) semaphore(%arg14 : memref<!tpu.dma_semaphore, #tpu.memory_space<semaphore_mem>>)
            %dma_wait3A_224 = arith.constant 0 : i32
            %dma_wait3A_225 = arith.constant 0 : i32
            %dma_wait3A_226 = tpu.memref_slice %arg11[%dma_wait3A_224, %dma_wait3A_225] : memref<1x96xi32, #tpu.memory_space<vmem>> -> memref<1x96xi32, #tpu.memory_space<vmem>>
            %dma_wait3A_227 = tpu.memref_squeeze %dma_wait3A_226 : memref<1x96xi32, #tpu.memory_space<vmem>> -> memref<96xi32, #tpu.memory_space<vmem>>
            %dma_wait3A_228 = arith.constant 0 : i32
            %dma_wait3A_229 = arith.constant 0 : i32
            %dma_wait3A_230 = tpu.memref_slice %arg4[%dma_wait3A_228, %dma_wait3A_229] : memref<16416x128xf32, #tpu.memory_space<hbm>> -> memref<16416x128xf32, #tpu.memory_space<hbm>>
            tpu.wait_indirect_dma semaphore(%arg14 : memref<!tpu.dma_semaphore, #tpu.memory_space<semaphore_mem>>) src(%arg10 : memref<96x128xf32, #tpu.memory_space<vmem>>) dst(%dma_wait3A_230 : memref<16416x128xf32, #tpu.memory_space<hbm>>)
            %swap3A_231 = arith.constant 0 : i32
            %swap3A_232 = arith.index_cast %swap3A_231 : i32 to index
            %swap3A_233 = arith.constant 0 : index
            %swap3A_234 = tpu.vector_load %arg11[%swap3A_232, %swap3A_233] {strides = array<i32>} : memref<1x96xi32, #tpu.memory_space<vmem>>, vector<16xi32>,
            tpu.vector_store %arg11[%swap3A_232, %swap3A_233], %broadcast_in_dim3A_15 {strides = array<i32>} : memref<1x96xi32, #tpu.memory_space<vmem>>, vector<16xi32>,
            %swap3A_235 = arith.constant 0 : i32
            %swap3A_236 = arith.index_cast %swap3A_235 : i32 to index
            %swap3A_237 = arith.constant 16 : index
            %swap3A_238 = tpu.vector_load %arg11[%swap3A_236, %swap3A_237] {strides = array<i32>} : memref<1x96xi32, #tpu.memory_space<vmem>>, vector<16xi32>,
            tpu.vector_store %arg11[%swap3A_236, %swap3A_237], %broadcast_in_dim3A_15 {strides = array<i32>} : memref<1x96xi32, #tpu.memory_space<vmem>>, vector<16xi32>,
            %swap3A_239 = arith.constant 0 : i32
            %swap3A_240 = arith.index_cast %swap3A_239 : i32 to index
            %swap3A_241 = arith.constant 32 : index
            %swap3A_242 = tpu.vector_load %arg11[%swap3A_240, %swap3A_241] {strides = array<i32>} : memref<1x96xi32, #tpu.memory_space<vmem>>, vector<16xi32>,
            tpu.vector_store %arg11[%swap3A_240, %swap3A_241], %broadcast_in_dim3A_15 {strides = array<i32>} : memref<1x96xi32, #tpu.memory_space<vmem>>, vector<16xi32>,
            %swap3A_243 = arith.constant 0 : i32
            %swap3A_244 = arith.index_cast %swap3A_243 : i32 to index
            %swap3A_245 = arith.constant 48 : index
            %swap3A_246 = tpu.vector_load %arg11[%swap3A_244, %swap3A_245] {strides = array<i32>} : memref<1x96xi32, #tpu.memory_space<vmem>>, vector<16xi32>,
            tpu.vector_store %arg11[%swap3A_244, %swap3A_245], %broadcast_in_dim3A_15 {strides = array<i32>} : memref<1x96xi32, #tpu.memory_space<vmem>>, vector<16xi32>,
            %swap3A_247 = arith.constant 0 : i32
            %swap3A_248 = arith.index_cast %swap3A_247 : i32 to index
            %swap3A_249 = arith.constant 64 : index
            %swap3A_250 = tpu.vector_load %arg11[%swap3A_248, %swap3A_249] {strides = array<i32>} : memref<1x96xi32, #tpu.memory_space<vmem>>, vector<16xi32>,
            tpu.vector_store %arg11[%swap3A_248, %swap3A_249], %broadcast_in_dim3A_15 {strides = array<i32>} : memref<1x96xi32, #tpu.memory_space<vmem>>, vector<16xi32>,
            %swap3A_251 = arith.constant 0 : i32
            %swap3A_252 = arith.index_cast %swap3A_251 : i32 to index
            %swap3A_253 = arith.constant 80 : index
            %swap3A_254 = tpu.vector_load %arg11[%swap3A_252, %swap3A_253] {strides = array<i32>} : memref<1x96xi32, #tpu.memory_space<vmem>>, vector<16xi32>,
            tpu.vector_store %arg11[%swap3A_252, %swap3A_253], %broadcast_in_dim3A_15 {strides = array<i32>} : memref<1x96xi32, #tpu.memory_space<vmem>>, vector<16xi32>,
          } else {
          }
          %jit3A = arith.constant 0 : i32
          %select_n3A = arith.select %ge3A_193, %jit3A, %while3A_192 : i32
          %mul3A_197 = arith.constant 16 : i32
          %mul3A_198 = arith.muli %while3A_191, %mul3A_197 : i32
          %get3A = arith.index_cast %mul3A_198 : i32 to index
          %get3A_199 = tpu.vector_load %arg7[%get3A] {strides = array<i32>} : memref<16640xi32, #tpu.memory_space<vmem>>, vector<16xi32>,
          %gather3A_200 = tpu.vector_load_idx %arg5[%get3A_199] : memref<16400xi32, #tpu.memory_space<vmem>>[vector<16xi32>], vector<16xi32>,
          %shift_right_logical3A = arith.constant 7 : i32
          %shift_right_logical3A_201 = vector.broadcast %shift_right_logical3A : i32 to vector<16xi32>
          %shift_right_logical3A_202 = arith.shrui %gather3A_200, %shift_right_logical3A_201 : vector<16xi32>
          %sub3A_203 = arith.subi %shift_right_logical3A_202, %broadcast_in_dim3A_161 : vector<16xi32>
          %ge3A_204 = arith.constant 0 : i32
          %ge3A_205 = vector.broadcast %ge3A_204 : i32 to vector<16xi32>
          %ge3A_206 = arith.cmpi sge, %sub3A_203, %ge3A_205 : vector<16xi32>
          %lt3A_207 = arith.constant 4 : i32
          %lt3A_208 = vector.broadcast %lt3A_207 : i32 to vector<16xi32>
          %lt3A_209 = arith.cmpi slt, %sub3A_203, %lt3A_208 : vector<16xi32>
          %and3A = arith.andi %ge3A_206, %lt3A_209 : vector<16xi1>
          %all_reduce_population_count3A = tpu.all_reduce %and3A {dim = 0 : i64, kind = #tpu.reduction_kind<sum>} : vector<16xi1> -> vector<16xi32>
          %slice3A_210 = vector.extract_strided_slice %all_reduce_population_count3A {offsets = [0], sizes = [1], strides = [1]} : vector<16xi32> to vector<1xi32>
          %squeeze3A_211 = vector.extract %slice3A_210[0] : i32 from vector<1xi32>
          %gt3A = arith.constant 0 : i32
          %gt3A_212 = arith.cmpi sgt, %squeeze3A_211, %gt3A : i32
          %convert_element_type3A_213 = arith.extui %gt3A_212 : i1 to i32
          %cond3A_214 = arith.constant 0 : i32
          %cond3A_215 = arith.cmpi ne, %convert_element_type3A_213, %cond3A_214 : i32
          %cond3A_216 = scf.if %cond3A_215 -> (i32) {
            %while3A_217:2 = scf.while (%while3A_218 = %and3A, %while3A_219 = %select_n3A) : (vector<16xi1>, i32) -> (vector<16xi1>, i32) {
              %all_reduce_population_count3A_220 = tpu.all_reduce %while3A_218 {dim = 0 : i64, kind = #tpu.reduction_kind<sum>} : vector<16xi1> -> vector<16xi32>
              %slice3A_221 = vector.extract_strided_slice %all_reduce_population_count3A_220 {offsets = [0], sizes = [1], strides = [1]} : vector<16xi32> to vector<1xi32>
              %squeeze3A_222 = vector.extract %slice3A_221[0] : i32 from vector<1xi32>
              %gt3A_223 = arith.constant 0 : i32
              %gt3A_224 = arith.cmpi sgt, %squeeze3A_222, %gt3A_223 : i32
              scf.condition(%gt3A_224) %while3A_218, %while3A_219 : vector<16xi1>, i32
            } do {
            ^bb0(%while3A_218: vector<16xi1>, %while3A_219: i32):
              %all_reduce_ffs3A = tpu.all_reduce %while3A_218 {dim = 0 : i64, kind = #tpu.reduction_kind<find_first_set>} : vector<16xi1> -> vector<16xi32>
              %mul3A_220 = arith.constant 16 : i32
              %mul3A_221 = arith.muli %while3A_191, %mul3A_220 : i32
              %broadcast_in_dim3A_222 = vector.broadcast %mul3A_221 : i32 to vector<16xi32>
              %add3A_223 = arith.addi %broadcast_in_dim3A_222, %all_reduce_ffs3A : vector<16xi32>
              %gather3A_224 = tpu.vector_load_idx %arg7[%add3A_223] : memref<16640xi32, #tpu.memory_space<vmem>>[vector<16xi32>], vector<16xi32>,
              %gather3A_225 = tpu.vector_load_idx %arg5[%gather3A_224] : memref<16400xi32, #tpu.memory_space<vmem>>[vector<16xi32>], vector<16xi32>,
              %shift_right_logical3A_226 = arith.constant 7 : i32
              %shift_right_logical3A_227 = vector.broadcast %shift_right_logical3A_226 : i32 to vector<16xi32>
              %shift_right_logical3A_228 = arith.shrui %gather3A_225, %shift_right_logical3A_227 : vector<16xi32>
              %sub3A_229 = arith.subi %shift_right_logical3A_228, %min3A_164 : vector<16xi32>
              %and3A_230 = arith.constant 127 : i32
              %and3A_231 = vector.broadcast %and3A_230 : i32 to vector<16xi32>
              %and3A_232 = arith.andi %gather3A_225, %and3A_231 : vector<16xi32>
              %mul3A_233 = arith.constant 128 : i32
              %mul3A_234 = vector.broadcast %mul3A_233 : i32 to vector<16xi32>
              %mul3A_235 = arith.muli %sub3A_229, %mul3A_234 : vector<16xi32>
              %add3A_236 = arith.addi %and3A_232, %mul3A_235 : vector<16xi32>
              %broadcast_in_dim3A_237 = vector.broadcast %while3A_219 : i32 to vector<16xi32>
              %broadcast_in_dim3A_238 = arith.constant 0 : i32
              %broadcast_in_dim3A_239 = vector.broadcast %broadcast_in_dim3A_238 : i32 to vector<16xi32>
              %add3A_240 = arith.addi %broadcast_in_dim3A_239, %iota3A : vector<16xi32>
              %gather3A_241 = tpu.vector_load_idx %arg9[%add3A_240, %add3A_236] : memref<128x512xf32, #tpu.memory_space<vmem>>[vector<16xi32>, vector<16xi32>], vector<16xf32>,
              %add3A_242 = arith.constant 0 : i32
              %add3A_243 = vector.broadcast %add3A_242 : i32 to vector<16xi32>
              %add3A_244 = arith.addi %iota3A, %add3A_243 : vector<16xi32>
              tpu.vector_store_idx %arg10[%broadcast_in_dim3A_237, %add3A_244], %gather3A_241 : memref<96x128xf32, #tpu.memory_space<vmem>>[vector<16xi32>, vector<16xi32>], vector<16xf32>,
              %broadcast_in_dim3A_245 = arith.constant 16 : i32
              %broadcast_in_dim3A_246 = vector.broadcast %broadcast_in_dim3A_245 : i32 to vector<16xi32>
              %add3A_247 = arith.addi %broadcast_in_dim3A_246, %iota3A : vector<16xi32>
              %gather3A_248 = tpu.vector_load_idx %arg9[%add3A_247, %add3A_236] : memref<128x512xf32, #tpu.memory_space<vmem>>[vector<16xi32>, vector<16xi32>], vector<16xf32>,
              %add3A_249 = arith.constant 16 : i32
              %add3A_250 = vector.broadcast %add3A_249 : i32 to vector<16xi32>
              %add3A_251 = arith.addi %iota3A, %add3A_250 : vector<16xi32>
              tpu.vector_store_idx %arg10[%broadcast_in_dim3A_237, %add3A_251], %gather3A_248 : memref<96x128xf32, #tpu.memory_space<vmem>>[vector<16xi32>, vector<16xi32>], vector<16xf32>,
              %broadcast_in_dim3A_252 = arith.constant 32 : i32
              %broadcast_in_dim3A_253 = vector.broadcast %broadcast_in_dim3A_252 : i32 to vector<16xi32>
              %add3A_254 = arith.addi %broadcast_in_dim3A_253, %iota3A : vector<16xi32>
              %gather3A_255 = tpu.vector_load_idx %arg9[%add3A_254, %add3A_236] : memref<128x512xf32, #tpu.memory_space<vmem>>[vector<16xi32>, vector<16xi32>], vector<16xf32>,
              %add3A_256 = arith.constant 32 : i32
              %add3A_257 = vector.broadcast %add3A_256 : i32 to vector<16xi32>
              %add3A_258 = arith.addi %iota3A, %add3A_257 : vector<16xi32>
              tpu.vector_store_idx %arg10[%broadcast_in_dim3A_237, %add3A_258], %gather3A_255 : memref<96x128xf32, #tpu.memory_space<vmem>>[vector<16xi32>, vector<16xi32>], vector<16xf32>,
              %broadcast_in_dim3A_259 = arith.constant 48 : i32
              %broadcast_in_dim3A_260 = vector.broadcast %broadcast_in_dim3A_259 : i32 to vector<16xi32>
              %add3A_261 = arith.addi %broadcast_in_dim3A_260, %iota3A : vector<16xi32>
              %gather3A_262 = tpu.vector_load_idx %arg9[%add3A_261, %add3A_236] : memref<128x512xf32, #tpu.memory_space<vmem>>[vector<16xi32>, vector<16xi32>], vector<16xf32>,
              %add3A_263 = arith.constant 48 : i32
              %add3A_264 = vector.broadcast %add3A_263 : i32 to vector<16xi32>
              %add3A_265 = arith.addi %iota3A, %add3A_264 : vector<16xi32>
              tpu.vector_store_idx %arg10[%broadcast_in_dim3A_237, %add3A_265], %gather3A_262 : memref<96x128xf32, #tpu.memory_space<vmem>>[vector<16xi32>, vector<16xi32>], vector<16xf32>,
              tpu.vector_store_idx %arg11[%broadcast_in_dim3A_1, %broadcast_in_dim3A_237], %gather3A_224 masked %eq3A_19 : memref<1x96xi32, #tpu.memory_space<vmem>>[vector<16xi32>, vector<16xi32>], vector<16xi32>, vector<16xi1>
              %ne3A = arith.cmpi ne, %iota3A, %all_reduce_ffs3A : vector<16xi32>
              %and3A_266 = arith.andi %while3A_218, %ne3A : vector<16xi1>
              %add3A_267 = arith.constant 1 : i32
              %add3A_268 = arith.addi %while3A_219, %add3A_267 : i32
              scf.yield %and3A_266, %add3A_268 : vector<16xi1>, i32
            }
            scf.yield %while3A_217#1 : i32
          } else {
            scf.yield %select_n3A : i32
          }
          scf.yield %cond3A_216 : i32
        }
        %while3A_189 = arith.constant 1 : i32
        %while3A_190 = scf.for %while3A_191 = %while3A_186 to %while3A_182 step %while3A_189 iter_args(%while3A_192 = %while3A_188) -> (i32)  : i32 {
          %ge3A = arith.constant 80 : i32
          %ge3A_193 = arith.cmpi sge, %while3A_192, %ge3A : i32
          %convert_element_type3A_194 = arith.extui %ge3A_193 : i1 to i32
          %cond3A_195 = arith.constant 0 : i32
          %cond3A_196 = arith.cmpi ne, %convert_element_type3A_194, %cond3A_195 : i32
          scf.if %cond3A_196 {
            %dma_start3A_217 = arith.constant 0 : i32
            %dma_start3A_218 = arith.constant 0 : i32
            %dma_start3A_219 = tpu.memref_slice %arg11[%dma_start3A_217, %dma_start3A_218] : memref<1x96xi32, #tpu.memory_space<vmem>> -> memref<1x96xi32, #tpu.memory_space<vmem>>
            %dma_start3A_220 = tpu.memref_squeeze %dma_start3A_219 : memref<1x96xi32, #tpu.memory_space<vmem>> -> memref<96xi32, #tpu.memory_space<vmem>>
            %dma_start3A_221 = arith.constant 0 : i32
            %dma_start3A_222 = arith.constant 0 : i32
            %dma_start3A_223 = tpu.memref_slice %arg4[%dma_start3A_221, %dma_start3A_222] : memref<16416x128xf32, #tpu.memory_space<hbm>> -> memref<16416x128xf32, #tpu.memory_space<hbm>>
            tpu.enqueue_indirect_dma source(%arg10 : memref<96x128xf32, #tpu.memory_space<vmem>>) target(%dma_start3A_223 : memref<16416x128xf32, #tpu.memory_space<hbm>>) offsets(%dma_start3A_220 : memref<96xi32, #tpu.memory_space<vmem>>) semaphore(%arg14 : memref<!tpu.dma_semaphore, #tpu.memory_space<semaphore_mem>>)
            %dma_wait3A_224 = arith.constant 0 : i32
            %dma_wait3A_225 = arith.constant 0 : i32
            %dma_wait3A_226 = tpu.memref_slice %arg11[%dma_wait3A_224, %dma_wait3A_225] : memref<1x96xi32, #tpu.memory_space<vmem>> -> memref<1x96xi32, #tpu.memory_space<vmem>>
            %dma_wait3A_227 = tpu.memref_squeeze %dma_wait3A_226 : memref<1x96xi32, #tpu.memory_space<vmem>> -> memref<96xi32, #tpu.memory_space<vmem>>
            %dma_wait3A_228 = arith.constant 0 : i32
            %dma_wait3A_229 = arith.constant 0 : i32
            %dma_wait3A_230 = tpu.memref_slice %arg4[%dma_wait3A_228, %dma_wait3A_229] : memref<16416x128xf32, #tpu.memory_space<hbm>> -> memref<16416x128xf32, #tpu.memory_space<hbm>>
            tpu.wait_indirect_dma semaphore(%arg14 : memref<!tpu.dma_semaphore, #tpu.memory_space<semaphore_mem>>) src(%arg10 : memref<96x128xf32, #tpu.memory_space<vmem>>) dst(%dma_wait3A_230 : memref<16416x128xf32, #tpu.memory_space<hbm>>)
            %swap3A_231 = arith.constant 0 : i32
            %swap3A_232 = arith.index_cast %swap3A_231 : i32 to index
            %swap3A_233 = arith.constant 0 : index
            %swap3A_234 = tpu.vector_load %arg11[%swap3A_232, %swap3A_233] {strides = array<i32>} : memref<1x96xi32, #tpu.memory_space<vmem>>, vector<16xi32>,
            tpu.vector_store %arg11[%swap3A_232, %swap3A_233], %broadcast_in_dim3A_15 {strides = array<i32>} : memref<1x96xi32, #tpu.memory_space<vmem>>, vector<16xi32>,
            %swap3A_235 = arith.constant 0 : i32
            %swap3A_236 = arith.index_cast %swap3A_235 : i32 to index
            %swap3A_237 = arith.constant 16 : index
            %swap3A_238 = tpu.vector_load %arg11[%swap3A_236, %swap3A_237] {strides = array<i32>} : memref<1x96xi32, #tpu.memory_space<vmem>>, vector<16xi32>,
            tpu.vector_store %arg11[%swap3A_236, %swap3A_237], %broadcast_in_dim3A_15 {strides = array<i32>} : memref<1x96xi32, #tpu.memory_space<vmem>>, vector<16xi32>,
            %swap3A_239 = arith.constant 0 : i32
            %swap3A_240 = arith.index_cast %swap3A_239 : i32 to index
            %swap3A_241 = arith.constant 32 : index
            %swap3A_242 = tpu.vector_load %arg11[%swap3A_240, %swap3A_241] {strides = array<i32>} : memref<1x96xi32, #tpu.memory_space<vmem>>, vector<16xi32>,
            tpu.vector_store %arg11[%swap3A_240, %swap3A_241], %broadcast_in_dim3A_15 {strides = array<i32>} : memref<1x96xi32, #tpu.memory_space<vmem>>, vector<16xi32>,
            %swap3A_243 = arith.constant 0 : i32
            %swap3A_244 = arith.index_cast %swap3A_243 : i32 to index
            %swap3A_245 = arith.constant 48 : index
            %swap3A_246 = tpu.vector_load %arg11[%swap3A_244, %swap3A_245] {strides = array<i32>} : memref<1x96xi32, #tpu.memory_space<vmem>>, vector<16xi32>,
            tpu.vector_store %arg11[%swap3A_244, %swap3A_245], %broadcast_in_dim3A_15 {strides = array<i32>} : memref<1x96xi32, #tpu.memory_space<vmem>>, vector<16xi32>,
            %swap3A_247 = arith.constant 0 : i32
            %swap3A_248 = arith.index_cast %swap3A_247 : i32 to index
            %swap3A_249 = arith.constant 64 : index
            %swap3A_250 = tpu.vector_load %arg11[%swap3A_248, %swap3A_249] {strides = array<i32>} : memref<1x96xi32, #tpu.memory_space<vmem>>, vector<16xi32>,
            tpu.vector_store %arg11[%swap3A_248, %swap3A_249], %broadcast_in_dim3A_15 {strides = array<i32>} : memref<1x96xi32, #tpu.memory_space<vmem>>, vector<16xi32>,
            %swap3A_251 = arith.constant 0 : i32
            %swap3A_252 = arith.index_cast %swap3A_251 : i32 to index
            %swap3A_253 = arith.constant 80 : index
            %swap3A_254 = tpu.vector_load %arg11[%swap3A_252, %swap3A_253] {strides = array<i32>} : memref<1x96xi32, #tpu.memory_space<vmem>>, vector<16xi32>,
            tpu.vector_store %arg11[%swap3A_252, %swap3A_253], %broadcast_in_dim3A_15 {strides = array<i32>} : memref<1x96xi32, #tpu.memory_space<vmem>>, vector<16xi32>,
          } else {
          }
          %jit3A = arith.constant 0 : i32
          %select_n3A = arith.select %ge3A_193, %jit3A, %while3A_192 : i32
          %mul3A_197 = arith.constant 16 : i32
          %mul3A_198 = arith.muli %while3A_191, %mul3A_197 : i32
          %get3A = arith.index_cast %mul3A_198 : i32 to index
          %get3A_199 = tpu.vector_load %arg7[%get3A] {strides = array<i32>} : memref<16640xi32, #tpu.memory_space<vmem>>, vector<16xi32>,
          %gather3A_200 = tpu.vector_load_idx %arg5[%get3A_199] : memref<16400xi32, #tpu.memory_space<vmem>>[vector<16xi32>], vector<16xi32>,
          %shift_right_logical3A = arith.constant 7 : i32
          %shift_right_logical3A_201 = vector.broadcast %shift_right_logical3A : i32 to vector<16xi32>
          %shift_right_logical3A_202 = arith.shrui %gather3A_200, %shift_right_logical3A_201 : vector<16xi32>
          %sub3A_203 = arith.subi %shift_right_logical3A_202, %broadcast_in_dim3A_161 : vector<16xi32>
          %ge3A_204 = arith.constant 0 : i32
          %ge3A_205 = vector.broadcast %ge3A_204 : i32 to vector<16xi32>
          %ge3A_206 = arith.cmpi sge, %sub3A_203, %ge3A_205 : vector<16xi32>
          %lt3A_207 = arith.constant 4 : i32
          %lt3A_208 = vector.broadcast %lt3A_207 : i32 to vector<16xi32>
          %lt3A_209 = arith.cmpi slt, %sub3A_203, %lt3A_208 : vector<16xi32>
          %and3A = arith.andi %ge3A_206, %lt3A_209 : vector<16xi1>
          %all_reduce_population_count3A = tpu.all_reduce %and3A {dim = 0 : i64, kind = #tpu.reduction_kind<sum>} : vector<16xi1> -> vector<16xi32>
          %slice3A_210 = vector.extract_strided_slice %all_reduce_population_count3A {offsets = [0], sizes = [1], strides = [1]} : vector<16xi32> to vector<1xi32>
          %squeeze3A_211 = vector.extract %slice3A_210[0] : i32 from vector<1xi32>
          %gt3A = arith.constant 0 : i32
          %gt3A_212 = arith.cmpi sgt, %squeeze3A_211, %gt3A : i32
          %convert_element_type3A_213 = arith.extui %gt3A_212 : i1 to i32
          %cond3A_214 = arith.constant 0 : i32
          %cond3A_215 = arith.cmpi ne, %convert_element_type3A_213, %cond3A_214 : i32
          %cond3A_216 = scf.if %cond3A_215 -> (i32) {
            %while3A_217:2 = scf.while (%while3A_218 = %and3A, %while3A_219 = %select_n3A) : (vector<16xi1>, i32) -> (vector<16xi1>, i32) {
              %all_reduce_population_count3A_220 = tpu.all_reduce %while3A_218 {dim = 0 : i64, kind = #tpu.reduction_kind<sum>} : vector<16xi1> -> vector<16xi32>
              %slice3A_221 = vector.extract_strided_slice %all_reduce_population_count3A_220 {offsets = [0], sizes = [1], strides = [1]} : vector<16xi32> to vector<1xi32>
              %squeeze3A_222 = vector.extract %slice3A_221[0] : i32 from vector<1xi32>
              %gt3A_223 = arith.constant 0 : i32
              %gt3A_224 = arith.cmpi sgt, %squeeze3A_222, %gt3A_223 : i32
              scf.condition(%gt3A_224) %while3A_218, %while3A_219 : vector<16xi1>, i32
            } do {
            ^bb0(%while3A_218: vector<16xi1>, %while3A_219: i32):
              %all_reduce_ffs3A = tpu.all_reduce %while3A_218 {dim = 0 : i64, kind = #tpu.reduction_kind<find_first_set>} : vector<16xi1> -> vector<16xi32>
              %mul3A_220 = arith.constant 16 : i32
              %mul3A_221 = arith.muli %while3A_191, %mul3A_220 : i32
              %broadcast_in_dim3A_222 = vector.broadcast %mul3A_221 : i32 to vector<16xi32>
              %add3A_223 = arith.addi %broadcast_in_dim3A_222, %all_reduce_ffs3A : vector<16xi32>
              %gather3A_224 = tpu.vector_load_idx %arg7[%add3A_223] : memref<16640xi32, #tpu.memory_space<vmem>>[vector<16xi32>], vector<16xi32>,
              %gather3A_225 = tpu.vector_load_idx %arg5[%gather3A_224] : memref<16400xi32, #tpu.memory_space<vmem>>[vector<16xi32>], vector<16xi32>,
              %shift_right_logical3A_226 = arith.constant 7 : i32
              %shift_right_logical3A_227 = vector.broadcast %shift_right_logical3A_226 : i32 to vector<16xi32>
              %shift_right_logical3A_228 = arith.shrui %gather3A_225, %shift_right_logical3A_227 : vector<16xi32>
              %sub3A_229 = arith.subi %shift_right_logical3A_228, %min3A_164 : vector<16xi32>
              %and3A_230 = arith.constant 127 : i32
              %and3A_231 = vector.broadcast %and3A_230 : i32 to vector<16xi32>
              %and3A_232 = arith.andi %gather3A_225, %and3A_231 : vector<16xi32>
              %mul3A_233 = arith.constant 128 : i32
              %mul3A_234 = vector.broadcast %mul3A_233 : i32 to vector<16xi32>
              %mul3A_235 = arith.muli %sub3A_229, %mul3A_234 : vector<16xi32>
              %add3A_236 = arith.addi %and3A_232, %mul3A_235 : vector<16xi32>
              %broadcast_in_dim3A_237 = vector.broadcast %while3A_219 : i32 to vector<16xi32>
              %broadcast_in_dim3A_238 = arith.constant 0 : i32
              %broadcast_in_dim3A_239 = vector.broadcast %broadcast_in_dim3A_238 : i32 to vector<16xi32>
              %add3A_240 = arith.addi %broadcast_in_dim3A_239, %iota3A : vector<16xi32>
              %gather3A_241 = tpu.vector_load_idx %arg9[%add3A_240, %add3A_236] : memref<128x512xf32, #tpu.memory_space<vmem>>[vector<16xi32>, vector<16xi32>], vector<16xf32>,
              %add3A_242 = arith.constant 0 : i32
              %add3A_243 = vector.broadcast %add3A_242 : i32 to vector<16xi32>
              %add3A_244 = arith.addi %iota3A, %add3A_243 : vector<16xi32>
              tpu.vector_store_idx %arg10[%broadcast_in_dim3A_237, %add3A_244], %gather3A_241 : memref<96x128xf32, #tpu.memory_space<vmem>>[vector<16xi32>, vector<16xi32>], vector<16xf32>,
              %broadcast_in_dim3A_245 = arith.constant 16 : i32
              %broadcast_in_dim3A_246 = vector.broadcast %broadcast_in_dim3A_245 : i32 to vector<16xi32>
              %add3A_247 = arith.addi %broadcast_in_dim3A_246, %iota3A : vector<16xi32>
              %gather3A_248 = tpu.vector_load_idx %arg9[%add3A_247, %add3A_236] : memref<128x512xf32, #tpu.memory_space<vmem>>[vector<16xi32>, vector<16xi32>], vector<16xf32>,
              %add3A_249 = arith.constant 16 : i32
              %add3A_250 = vector.broadcast %add3A_249 : i32 to vector<16xi32>
              %add3A_251 = arith.addi %iota3A, %add3A_250 : vector<16xi32>
              tpu.vector_store_idx %arg10[%broadcast_in_dim3A_237, %add3A_251], %gather3A_248 : memref<96x128xf32, #tpu.memory_space<vmem>>[vector<16xi32>, vector<16xi32>], vector<16xf32>,
              %broadcast_in_dim3A_252 = arith.constant 32 : i32
              %broadcast_in_dim3A_253 = vector.broadcast %broadcast_in_dim3A_252 : i32 to vector<16xi32>
              %add3A_254 = arith.addi %broadcast_in_dim3A_253, %iota3A : vector<16xi32>
              %gather3A_255 = tpu.vector_load_idx %arg9[%add3A_254, %add3A_236] : memref<128x512xf32, #tpu.memory_space<vmem>>[vector<16xi32>, vector<16xi32>], vector<16xf32>,
              %add3A_256 = arith.constant 32 : i32
              %add3A_257 = vector.broadcast %add3A_256 : i32 to vector<16xi32>
              %add3A_258 = arith.addi %iota3A, %add3A_257 : vector<16xi32>
              tpu.vector_store_idx %arg10[%broadcast_in_dim3A_237, %add3A_258], %gather3A_255 : memref<96x128xf32, #tpu.memory_space<vmem>>[vector<16xi32>, vector<16xi32>], vector<16xf32>,
              %broadcast_in_dim3A_259 = arith.constant 48 : i32
              %broadcast_in_dim3A_260 = vector.broadcast %broadcast_in_dim3A_259 : i32 to vector<16xi32>
              %add3A_261 = arith.addi %broadcast_in_dim3A_260, %iota3A : vector<16xi32>
              %gather3A_262 = tpu.vector_load_idx %arg9[%add3A_261, %add3A_236] : memref<128x512xf32, #tpu.memory_space<vmem>>[vector<16xi32>, vector<16xi32>], vector<16xf32>,
              %add3A_263 = arith.constant 48 : i32
              %add3A_264 = vector.broadcast %add3A_263 : i32 to vector<16xi32>
              %add3A_265 = arith.addi %iota3A, %add3A_264 : vector<16xi32>
              tpu.vector_store_idx %arg10[%broadcast_in_dim3A_237, %add3A_265], %gather3A_262 : memref<96x128xf32, #tpu.memory_space<vmem>>[vector<16xi32>, vector<16xi32>], vector<16xf32>,
              tpu.vector_store_idx %arg11[%broadcast_in_dim3A_1, %broadcast_in_dim3A_237], %gather3A_224 masked %eq3A_19 : memref<1x96xi32, #tpu.memory_space<vmem>>[vector<16xi32>, vector<16xi32>], vector<16xi32>, vector<16xi1>
              %ne3A = arith.cmpi ne, %iota3A, %all_reduce_ffs3A : vector<16xi32>
              %and3A_266 = arith.andi %while3A_218, %ne3A : vector<16xi1>
              %add3A_267 = arith.constant 1 : i32
              %add3A_268 = arith.addi %while3A_219, %add3A_267 : i32
              scf.yield %and3A_266, %add3A_268 : vector<16xi1>, i32
            }
            scf.yield %while3A_217#1 : i32
          } else {
            scf.yield %select_n3A : i32
          }
          scf.yield %cond3A_216 : i32
        }
        scf.yield %while3A_190 : i32
      } else {
        scf.yield %while3A_118 : i32
      }
      %mul3A_131 = arith.constant 2 : i32
      %mul3A_132 = arith.muli %while3A_117, %mul3A_131 : i32
      %add3A_133 = arith.constant 1 : i32
      %add3A_134 = arith.addi %mul3A_132, %add3A_133 : i32
      %add3A_135 = arith.constant 1 : i32
      %add3A_136 = arith.addi %add3A_134, %add3A_135 : i32
      %lt3A_137 = arith.cmpi slt, %add3A_136, %div3A_73 : i32
      %convert_element_type3A_138 = arith.extui %lt3A_137 : i1 to i32
      %cond3A_139 = arith.constant 0 : i32
      %cond3A_140 = arith.cmpi ne, %convert_element_type3A_138, %cond3A_139 : i32
      scf.if %cond3A_140 {
        %add3A_146 = arith.constant 1 : i32
        %add3A_147 = arith.addi %add3A_134, %add3A_146 : i32
        %mul3A_148 = arith.constant 4 : i32
        %mul3A_149 = arith.muli %add3A_147, %mul3A_148 : i32
        %add3A_150 = arith.addi %mul3A_3, %mul3A_149 : i32
        %min3A_151 = arith.constant 7809 : i32
        %min3A_152 = arith.minsi %add3A_150, %min3A_151 : i32
        %mul3A_153 = arith.constant 128 : i32
        %mul3A_154 = arith.muli %min3A_152, %mul3A_153 : i32
        %multiple_of3A_155 = tpu.assume_multiple %mul3A_154, 128 : i32
        %dma_start3A_156 = arith.constant 0 : i32
        %dma_start3A_157 = arith.constant 0 : i32
        %dma_start3A_158 = tpu.memref_slice %arg9[%dma_start3A_156, %dma_start3A_157] : memref<128x512xf32, #tpu.memory_space<vmem>> -> memref<64x512xf32, #tpu.memory_space<vmem>>
        %dma_start3A_159 = arith.constant 0 : i32
        %dma_start3A_160 = tpu.memref_slice %arg2[%dma_start3A_159, %multiple_of3A_155] : memref<64x1000001xf32, #tpu.memory_space<hbm>> -> memref<64x512xf32, #tpu.memory_space<hbm>>
        %dma_start3A_161 = arith.constant 0 : i32
        %dma_start3A_162 = arith.constant 0 : i32
        %dma_start3A_163 = tpu.memref_slice %arg9[%dma_start3A_161, %dma_start3A_162] : memref<128x512xf32, #tpu.memory_space<vmem>> -> memref<64x512xf32, #tpu.memory_space<vmem>>
        %dma_start3A_164 = arith.constant 0 : i32
        %dma_start3A_165 = tpu.memref_slice %arg2[%dma_start3A_164, %multiple_of3A_155] : memref<64x1000001xf32, #tpu.memory_space<hbm>> -> memref<64x512xf32, #tpu.memory_space<hbm>>
        tpu.enqueue_dma source(%dma_start3A_165 : memref<64x512xf32, #tpu.memory_space<hbm>>) target(%dma_start3A_163 : memref<64x512xf32, #tpu.memory_space<vmem>>) target_semaphore(%arg12 : memref<!tpu.dma_semaphore, #tpu.memory_space<semaphore_mem>>)
      } else {
      }
      %lt3A_141 = arith.cmpi slt, %add3A_134, %div3A_73 : i32
      %convert_element_type3A_142 = arith.extui %lt3A_141 : i1 to i32
      %cond3A_143 = arith.constant 0 : i32
      %cond3A_144 = arith.cmpi ne, %convert_element_type3A_142, %cond3A_143 : i32
      %cond3A_145 = scf.if %cond3A_144 -> (i32) {
        %dma_wait3A_146 = arith.constant 64 : i32
        %dma_wait3A_147 = arith.constant 0 : i32
        %dma_wait3A_148 = tpu.memref_slice %arg9[%dma_wait3A_146, %dma_wait3A_147] : memref<128x512xf32, #tpu.memory_space<vmem>> -> memref<64x512xf32, #tpu.memory_space<vmem>>
        %dma_wait3A_149 = arith.constant 0 : i32
        %dma_wait3A_150 = arith.constant 0 : i32
        %dma_wait3A_151 = tpu.memref_slice %arg2[%dma_wait3A_149, %dma_wait3A_150] : memref<64x1000001xf32, #tpu.memory_space<hbm>> -> memref<64x512xf32, #tpu.memory_space<hbm>>
        %dma_wait3A_152 = arith.constant 64 : i32
        %dma_wait3A_153 = arith.constant 0 : i32
        %dma_wait3A_154 = tpu.memref_slice %arg9[%dma_wait3A_152, %dma_wait3A_153] : memref<128x512xf32, #tpu.memory_space<vmem>> -> memref<64x512xf32, #tpu.memory_space<vmem>>
        %dma_wait3A_155 = arith.constant 0 : i32
        %dma_wait3A_156 = arith.constant 0 : i32
        %dma_wait3A_157 = tpu.memref_slice %arg2[%dma_wait3A_155, %dma_wait3A_156] : memref<64x1000001xf32, #tpu.memory_space<hbm>> -> memref<64x512xf32, #tpu.memory_space<hbm>>
        tpu.wait_dma2 semaphore(%arg13 : memref<!tpu.dma_semaphore, #tpu.memory_space<semaphore_mem>>) src(%dma_wait3A_157 : memref<64x512xf32, #tpu.memory_space<hbm>>) dst(%dma_wait3A_154 : memref<64x512xf32, #tpu.memory_space<vmem>>)
        %mul3A_158 = arith.constant 4 : i32
        %mul3A_159 = arith.muli %add3A_134, %mul3A_158 : i32
        %add3A_160 = arith.addi %mul3A_3, %mul3A_159 : i32
        %broadcast_in_dim3A_161 = vector.broadcast %add3A_160 : i32 to vector<16xi32>
        %min3A_162 = arith.constant 7809 : i32
        %min3A_163 = vector.broadcast %min3A_162 : i32 to vector<16xi32>
        %min3A_164 = arith.minsi %broadcast_in_dim3A_161, %min3A_163 : vector<16xi32>
        %mul3A_165 = arith.constant 4 : i32
        %mul3A_166 = arith.muli %add3A_134, %mul3A_165 : i32
        %broadcast_in_dim3A_167 = vector.broadcast %mul3A_166 : i32 to vector<16xi32>
        %div3A_168 = arith.constant 16 : i32
        %div3A_169 = vector.broadcast %div3A_168 : i32 to vector<16xi32>
        %div3A_170 = arith.divsi %broadcast_in_dim3A_167, %div3A_169 : vector<16xi32>
        %gather3A = tpu.vector_load_idx %arg8[%broadcast_in_dim3A_1, %div3A_170] : memref<1x32xi32, #tpu.memory_space<vmem>>[vector<16xi32>, vector<16xi32>], vector<16xi32>,
        %slice3A = vector.extract_strided_slice %gather3A {offsets = [0], sizes = [1], strides = [1]} : vector<16xi32> to vector<1xi32>
        %squeeze3A = vector.extract %slice3A[0] : i32 from vector<1xi32>
        %add3A_171 = arith.constant 1 : i32
        %add3A_172 = vector.broadcast %add3A_171 : i32 to vector<16xi32>
        %add3A_173 = arith.addi %div3A_170, %add3A_172 : vector<16xi32>
        %gather3A_174 = tpu.vector_load_idx %arg8[%broadcast_in_dim3A_1, %add3A_173] : memref<1x32xi32, #tpu.memory_space<vmem>>[vector<16xi32>, vector<16xi32>], vector<16xi32>,
        %slice3A_175 = vector.extract_strided_slice %gather3A_174 {offsets = [0], sizes = [1], strides = [1]} : vector<16xi32> to vector<1xi32>
        %squeeze3A_176 = vector.extract %slice3A_175[0] : i32 from vector<1xi32>
        %div3A_177 = arith.constant 16 : i32
        %div3A_178 = arith.divsi %squeeze3A, %div3A_177 : i32
        %div3A_179 = arith.constant 16 : i32
        %div3A_180 = arith.divsi %squeeze3A_176, %div3A_179 : i32
        %while3A_181 = arith.subi %div3A_180, %div3A_178 : i32
        %while3A_182 = arith.addi %div3A_178, %while3A_181 : i32
        %while3A_183 = arith.constant 1 : i32
        %while3A_184 = arith.divsi %while3A_181, %while3A_183 : i32
        %while3A_185 = arith.muli %while3A_184, %while3A_183 : i32
        %while3A_186 = arith.addi %div3A_178, %while3A_185 : i32
        %while3A_187 = arith.constant 1 : i32
        %while3A_188 = scf.for %while3A_191 = %div3A_178 to %while3A_186 step %while3A_187 iter_args(%while3A_192 = %cond3A_130) -> (i32)  : i32 {
          %ge3A = arith.constant 80 : i32
          %ge3A_193 = arith.cmpi sge, %while3A_192, %ge3A : i32
          %convert_element_type3A_194 = arith.extui %ge3A_193 : i1 to i32
          %cond3A_195 = arith.constant 0 : i32
          %cond3A_196 = arith.cmpi ne, %convert_element_type3A_194, %cond3A_195 : i32
          scf.if %cond3A_196 {
            %dma_start3A_217 = arith.constant 0 : i32
            %dma_start3A_218 = arith.constant 0 : i32
            %dma_start3A_219 = tpu.memref_slice %arg11[%dma_start3A_217, %dma_start3A_218] : memref<1x96xi32, #tpu.memory_space<vmem>> -> memref<1x96xi32, #tpu.memory_space<vmem>>
            %dma_start3A_220 = tpu.memref_squeeze %dma_start3A_219 : memref<1x96xi32, #tpu.memory_space<vmem>> -> memref<96xi32, #tpu.memory_space<vmem>>
            %dma_start3A_221 = arith.constant 0 : i32
            %dma_start3A_222 = arith.constant 0 : i32
            %dma_start3A_223 = tpu.memref_slice %arg4[%dma_start3A_221, %dma_start3A_222] : memref<16416x128xf32, #tpu.memory_space<hbm>> -> memref<16416x128xf32, #tpu.memory_space<hbm>>
            tpu.enqueue_indirect_dma source(%arg10 : memref<96x128xf32, #tpu.memory_space<vmem>>) target(%dma_start3A_223 : memref<16416x128xf32, #tpu.memory_space<hbm>>) offsets(%dma_start3A_220 : memref<96xi32, #tpu.memory_space<vmem>>) semaphore(%arg14 : memref<!tpu.dma_semaphore, #tpu.memory_space<semaphore_mem>>)
            %dma_wait3A_224 = arith.constant 0 : i32
            %dma_wait3A_225 = arith.constant 0 : i32
            %dma_wait3A_226 = tpu.memref_slice %arg11[%dma_wait3A_224, %dma_wait3A_225] : memref<1x96xi32, #tpu.memory_space<vmem>> -> memref<1x96xi32, #tpu.memory_space<vmem>>
            %dma_wait3A_227 = tpu.memref_squeeze %dma_wait3A_226 : memref<1x96xi32, #tpu.memory_space<vmem>> -> memref<96xi32, #tpu.memory_space<vmem>>
            %dma_wait3A_228 = arith.constant 0 : i32
            %dma_wait3A_229 = arith.constant 0 : i32
            %dma_wait3A_230 = tpu.memref_slice %arg4[%dma_wait3A_228, %dma_wait3A_229] : memref<16416x128xf32, #tpu.memory_space<hbm>> -> memref<16416x128xf32, #tpu.memory_space<hbm>>
            tpu.wait_indirect_dma semaphore(%arg14 : memref<!tpu.dma_semaphore, #tpu.memory_space<semaphore_mem>>) src(%arg10 : memref<96x128xf32, #tpu.memory_space<vmem>>) dst(%dma_wait3A_230 : memref<16416x128xf32, #tpu.memory_space<hbm>>)
            %swap3A_231 = arith.constant 0 : i32
            %swap3A_232 = arith.index_cast %swap3A_231 : i32 to index
            %swap3A_233 = arith.constant 0 : index
            %swap3A_234 = tpu.vector_load %arg11[%swap3A_232, %swap3A_233] {strides = array<i32>} : memref<1x96xi32, #tpu.memory_space<vmem>>, vector<16xi32>,
            tpu.vector_store %arg11[%swap3A_232, %swap3A_233], %broadcast_in_dim3A_15 {strides = array<i32>} : memref<1x96xi32, #tpu.memory_space<vmem>>, vector<16xi32>,
            %swap3A_235 = arith.constant 0 : i32
            %swap3A_236 = arith.index_cast %swap3A_235 : i32 to index
            %swap3A_237 = arith.constant 16 : index
            %swap3A_238 = tpu.vector_load %arg11[%swap3A_236, %swap3A_237] {strides = array<i32>} : memref<1x96xi32, #tpu.memory_space<vmem>>, vector<16xi32>,
            tpu.vector_store %arg11[%swap3A_236, %swap3A_237], %broadcast_in_dim3A_15 {strides = array<i32>} : memref<1x96xi32, #tpu.memory_space<vmem>>, vector<16xi32>,
            %swap3A_239 = arith.constant 0 : i32
            %swap3A_240 = arith.index_cast %swap3A_239 : i32 to index
            %swap3A_241 = arith.constant 32 : index
            %swap3A_242 = tpu.vector_load %arg11[%swap3A_240, %swap3A_241] {strides = array<i32>} : memref<1x96xi32, #tpu.memory_space<vmem>>, vector<16xi32>,
            tpu.vector_store %arg11[%swap3A_240, %swap3A_241], %broadcast_in_dim3A_15 {strides = array<i32>} : memref<1x96xi32, #tpu.memory_space<vmem>>, vector<16xi32>,
            %swap3A_243 = arith.constant 0 : i32
            %swap3A_244 = arith.index_cast %swap3A_243 : i32 to index
            %swap3A_245 = arith.constant 48 : index
            %swap3A_246 = tpu.vector_load %arg11[%swap3A_244, %swap3A_245] {strides = array<i32>} : memref<1x96xi32, #tpu.memory_space<vmem>>, vector<16xi32>,
            tpu.vector_store %arg11[%swap3A_244, %swap3A_245], %broadcast_in_dim3A_15 {strides = array<i32>} : memref<1x96xi32, #tpu.memory_space<vmem>>, vector<16xi32>,
            %swap3A_247 = arith.constant 0 : i32
            %swap3A_248 = arith.index_cast %swap3A_247 : i32 to index
            %swap3A_249 = arith.constant 64 : index
            %swap3A_250 = tpu.vector_load %arg11[%swap3A_248, %swap3A_249] {strides = array<i32>} : memref<1x96xi32, #tpu.memory_space<vmem>>, vector<16xi32>,
            tpu.vector_store %arg11[%swap3A_248, %swap3A_249], %broadcast_in_dim3A_15 {strides = array<i32>} : memref<1x96xi32, #tpu.memory_space<vmem>>, vector<16xi32>,
            %swap3A_251 = arith.constant 0 : i32
            %swap3A_252 = arith.index_cast %swap3A_251 : i32 to index
            %swap3A_253 = arith.constant 80 : index
            %swap3A_254 = tpu.vector_load %arg11[%swap3A_252, %swap3A_253] {strides = array<i32>} : memref<1x96xi32, #tpu.memory_space<vmem>>, vector<16xi32>,
            tpu.vector_store %arg11[%swap3A_252, %swap3A_253], %broadcast_in_dim3A_15 {strides = array<i32>} : memref<1x96xi32, #tpu.memory_space<vmem>>, vector<16xi32>,
          } else {
          }
          %jit3A = arith.constant 0 : i32
          %select_n3A = arith.select %ge3A_193, %jit3A, %while3A_192 : i32
          %mul3A_197 = arith.constant 16 : i32
          %mul3A_198 = arith.muli %while3A_191, %mul3A_197 : i32
          %get3A = arith.index_cast %mul3A_198 : i32 to index
          %get3A_199 = tpu.vector_load %arg7[%get3A] {strides = array<i32>} : memref<16640xi32, #tpu.memory_space<vmem>>, vector<16xi32>,
          %gather3A_200 = tpu.vector_load_idx %arg5[%get3A_199] : memref<16400xi32, #tpu.memory_space<vmem>>[vector<16xi32>], vector<16xi32>,
          %shift_right_logical3A = arith.constant 7 : i32
          %shift_right_logical3A_201 = vector.broadcast %shift_right_logical3A : i32 to vector<16xi32>
          %shift_right_logical3A_202 = arith.shrui %gather3A_200, %shift_right_logical3A_201 : vector<16xi32>
          %sub3A_203 = arith.subi %shift_right_logical3A_202, %broadcast_in_dim3A_161 : vector<16xi32>
          %ge3A_204 = arith.constant 0 : i32
          %ge3A_205 = vector.broadcast %ge3A_204 : i32 to vector<16xi32>
          %ge3A_206 = arith.cmpi sge, %sub3A_203, %ge3A_205 : vector<16xi32>
          %lt3A_207 = arith.constant 4 : i32
          %lt3A_208 = vector.broadcast %lt3A_207 : i32 to vector<16xi32>
          %lt3A_209 = arith.cmpi slt, %sub3A_203, %lt3A_208 : vector<16xi32>
          %and3A = arith.andi %ge3A_206, %lt3A_209 : vector<16xi1>
          %all_reduce_population_count3A = tpu.all_reduce %and3A {dim = 0 : i64, kind = #tpu.reduction_kind<sum>} : vector<16xi1> -> vector<16xi32>
          %slice3A_210 = vector.extract_strided_slice %all_reduce_population_count3A {offsets = [0], sizes = [1], strides = [1]} : vector<16xi32> to vector<1xi32>
          %squeeze3A_211 = vector.extract %slice3A_210[0] : i32 from vector<1xi32>
          %gt3A = arith.constant 0 : i32
          %gt3A_212 = arith.cmpi sgt, %squeeze3A_211, %gt3A : i32
          %convert_element_type3A_213 = arith.extui %gt3A_212 : i1 to i32
          %cond3A_214 = arith.constant 0 : i32
          %cond3A_215 = arith.cmpi ne, %convert_element_type3A_213, %cond3A_214 : i32
          %cond3A_216 = scf.if %cond3A_215 -> (i32) {
            %while3A_217:2 = scf.while (%while3A_218 = %and3A, %while3A_219 = %select_n3A) : (vector<16xi1>, i32) -> (vector<16xi1>, i32) {
              %all_reduce_population_count3A_220 = tpu.all_reduce %while3A_218 {dim = 0 : i64, kind = #tpu.reduction_kind<sum>} : vector<16xi1> -> vector<16xi32>
              %slice3A_221 = vector.extract_strided_slice %all_reduce_population_count3A_220 {offsets = [0], sizes = [1], strides = [1]} : vector<16xi32> to vector<1xi32>
              %squeeze3A_222 = vector.extract %slice3A_221[0] : i32 from vector<1xi32>
              %gt3A_223 = arith.constant 0 : i32
              %gt3A_224 = arith.cmpi sgt, %squeeze3A_222, %gt3A_223 : i32
              scf.condition(%gt3A_224) %while3A_218, %while3A_219 : vector<16xi1>, i32
            } do {
            ^bb0(%while3A_218: vector<16xi1>, %while3A_219: i32):
              %all_reduce_ffs3A = tpu.all_reduce %while3A_218 {dim = 0 : i64, kind = #tpu.reduction_kind<find_first_set>} : vector<16xi1> -> vector<16xi32>
              %mul3A_220 = arith.constant 16 : i32
              %mul3A_221 = arith.muli %while3A_191, %mul3A_220 : i32
              %broadcast_in_dim3A_222 = vector.broadcast %mul3A_221 : i32 to vector<16xi32>
              %add3A_223 = arith.addi %broadcast_in_dim3A_222, %all_reduce_ffs3A : vector<16xi32>
              %gather3A_224 = tpu.vector_load_idx %arg7[%add3A_223] : memref<16640xi32, #tpu.memory_space<vmem>>[vector<16xi32>], vector<16xi32>,
              %gather3A_225 = tpu.vector_load_idx %arg5[%gather3A_224] : memref<16400xi32, #tpu.memory_space<vmem>>[vector<16xi32>], vector<16xi32>,
              %shift_right_logical3A_226 = arith.constant 7 : i32
              %shift_right_logical3A_227 = vector.broadcast %shift_right_logical3A_226 : i32 to vector<16xi32>
              %shift_right_logical3A_228 = arith.shrui %gather3A_225, %shift_right_logical3A_227 : vector<16xi32>
              %sub3A_229 = arith.subi %shift_right_logical3A_228, %min3A_164 : vector<16xi32>
              %and3A_230 = arith.constant 127 : i32
              %and3A_231 = vector.broadcast %and3A_230 : i32 to vector<16xi32>
              %and3A_232 = arith.andi %gather3A_225, %and3A_231 : vector<16xi32>
              %mul3A_233 = arith.constant 128 : i32
              %mul3A_234 = vector.broadcast %mul3A_233 : i32 to vector<16xi32>
              %mul3A_235 = arith.muli %sub3A_229, %mul3A_234 : vector<16xi32>
              %add3A_236 = arith.addi %and3A_232, %mul3A_235 : vector<16xi32>
              %broadcast_in_dim3A_237 = vector.broadcast %while3A_219 : i32 to vector<16xi32>
              %broadcast_in_dim3A_238 = arith.constant 64 : i32
              %broadcast_in_dim3A_239 = vector.broadcast %broadcast_in_dim3A_238 : i32 to vector<16xi32>
              %add3A_240 = arith.addi %broadcast_in_dim3A_239, %iota3A : vector<16xi32>
              %gather3A_241 = tpu.vector_load_idx %arg9[%add3A_240, %add3A_236] : memref<128x512xf32, #tpu.memory_space<vmem>>[vector<16xi32>, vector<16xi32>], vector<16xf32>,
              %add3A_242 = arith.constant 0 : i32
              %add3A_243 = vector.broadcast %add3A_242 : i32 to vector<16xi32>
              %add3A_244 = arith.addi %iota3A, %add3A_243 : vector<16xi32>
              tpu.vector_store_idx %arg10[%broadcast_in_dim3A_237, %add3A_244], %gather3A_241 : memref<96x128xf32, #tpu.memory_space<vmem>>[vector<16xi32>, vector<16xi32>], vector<16xf32>,
              %broadcast_in_dim3A_245 = arith.constant 80 : i32
              %broadcast_in_dim3A_246 = vector.broadcast %broadcast_in_dim3A_245 : i32 to vector<16xi32>
              %add3A_247 = arith.addi %broadcast_in_dim3A_246, %iota3A : vector<16xi32>
              %gather3A_248 = tpu.vector_load_idx %arg9[%add3A_247, %add3A_236] : memref<128x512xf32, #tpu.memory_space<vmem>>[vector<16xi32>, vector<16xi32>], vector<16xf32>,
              %add3A_249 = arith.constant 16 : i32
              %add3A_250 = vector.broadcast %add3A_249 : i32 to vector<16xi32>
              %add3A_251 = arith.addi %iota3A, %add3A_250 : vector<16xi32>
              tpu.vector_store_idx %arg10[%broadcast_in_dim3A_237, %add3A_251], %gather3A_248 : memref<96x128xf32, #tpu.memory_space<vmem>>[vector<16xi32>, vector<16xi32>], vector<16xf32>,
              %broadcast_in_dim3A_252 = arith.constant 96 : i32
              %broadcast_in_dim3A_253 = vector.broadcast %broadcast_in_dim3A_252 : i32 to vector<16xi32>
              %add3A_254 = arith.addi %broadcast_in_dim3A_253, %iota3A : vector<16xi32>
              %gather3A_255 = tpu.vector_load_idx %arg9[%add3A_254, %add3A_236] : memref<128x512xf32, #tpu.memory_space<vmem>>[vector<16xi32>, vector<16xi32>], vector<16xf32>,
              %add3A_256 = arith.constant 32 : i32
              %add3A_257 = vector.broadcast %add3A_256 : i32 to vector<16xi32>
              %add3A_258 = arith.addi %iota3A, %add3A_257 : vector<16xi32>
              tpu.vector_store_idx %arg10[%broadcast_in_dim3A_237, %add3A_258], %gather3A_255 : memref<96x128xf32, #tpu.memory_space<vmem>>[vector<16xi32>, vector<16xi32>], vector<16xf32>,
              %broadcast_in_dim3A_259 = arith.constant 112 : i32
              %broadcast_in_dim3A_260 = vector.broadcast %broadcast_in_dim3A_259 : i32 to vector<16xi32>
              %add3A_261 = arith.addi %broadcast_in_dim3A_260, %iota3A : vector<16xi32>
              %gather3A_262 = tpu.vector_load_idx %arg9[%add3A_261, %add3A_236] : memref<128x512xf32, #tpu.memory_space<vmem>>[vector<16xi32>, vector<16xi32>], vector<16xf32>,
              %add3A_263 = arith.constant 48 : i32
              %add3A_264 = vector.broadcast %add3A_263 : i32 to vector<16xi32>
              %add3A_265 = arith.addi %iota3A, %add3A_264 : vector<16xi32>
              tpu.vector_store_idx %arg10[%broadcast_in_dim3A_237, %add3A_265], %gather3A_262 : memref<96x128xf32, #tpu.memory_space<vmem>>[vector<16xi32>, vector<16xi32>], vector<16xf32>,
              tpu.vector_store_idx %arg11[%broadcast_in_dim3A_1, %broadcast_in_dim3A_237], %gather3A_224 masked %eq3A_19 : memref<1x96xi32, #tpu.memory_space<vmem>>[vector<16xi32>, vector<16xi32>], vector<16xi32>, vector<16xi1>
              %ne3A = arith.cmpi ne, %iota3A, %all_reduce_ffs3A : vector<16xi32>
              %and3A_266 = arith.andi %while3A_218, %ne3A : vector<16xi1>
              %add3A_267 = arith.constant 1 : i32
              %add3A_268 = arith.addi %while3A_219, %add3A_267 : i32
              scf.yield %and3A_266, %add3A_268 : vector<16xi1>, i32
            }
            scf.yield %while3A_217#1 : i32
          } else {
            scf.yield %select_n3A : i32
          }
          scf.yield %cond3A_216 : i32
        }
        %while3A_189 = arith.constant 1 : i32
        %while3A_190 = scf.for %while3A_191 = %while3A_186 to %while3A_182 step %while3A_189 iter_args(%while3A_192 = %while3A_188) -> (i32)  : i32 {
          %ge3A = arith.constant 80 : i32
          %ge3A_193 = arith.cmpi sge, %while3A_192, %ge3A : i32
          %convert_element_type3A_194 = arith.extui %ge3A_193 : i1 to i32
          %cond3A_195 = arith.constant 0 : i32
          %cond3A_196 = arith.cmpi ne, %convert_element_type3A_194, %cond3A_195 : i32
          scf.if %cond3A_196 {
            %dma_start3A_217 = arith.constant 0 : i32
            %dma_start3A_218 = arith.constant 0 : i32
            %dma_start3A_219 = tpu.memref_slice %arg11[%dma_start3A_217, %dma_start3A_218] : memref<1x96xi32, #tpu.memory_space<vmem>> -> memref<1x96xi32, #tpu.memory_space<vmem>>
            %dma_start3A_220 = tpu.memref_squeeze %dma_start3A_219 : memref<1x96xi32, #tpu.memory_space<vmem>> -> memref<96xi32, #tpu.memory_space<vmem>>
            %dma_start3A_221 = arith.constant 0 : i32
            %dma_start3A_222 = arith.constant 0 : i32
            %dma_start3A_223 = tpu.memref_slice %arg4[%dma_start3A_221, %dma_start3A_222] : memref<16416x128xf32, #tpu.memory_space<hbm>> -> memref<16416x128xf32, #tpu.memory_space<hbm>>
            tpu.enqueue_indirect_dma source(%arg10 : memref<96x128xf32, #tpu.memory_space<vmem>>) target(%dma_start3A_223 : memref<16416x128xf32, #tpu.memory_space<hbm>>) offsets(%dma_start3A_220 : memref<96xi32, #tpu.memory_space<vmem>>) semaphore(%arg14 : memref<!tpu.dma_semaphore, #tpu.memory_space<semaphore_mem>>)
            %dma_wait3A_224 = arith.constant 0 : i32
            %dma_wait3A_225 = arith.constant 0 : i32
            %dma_wait3A_226 = tpu.memref_slice %arg11[%dma_wait3A_224, %dma_wait3A_225] : memref<1x96xi32, #tpu.memory_space<vmem>> -> memref<1x96xi32, #tpu.memory_space<vmem>>
            %dma_wait3A_227 = tpu.memref_squeeze %dma_wait3A_226 : memref<1x96xi32, #tpu.memory_space<vmem>> -> memref<96xi32, #tpu.memory_space<vmem>>
            %dma_wait3A_228 = arith.constant 0 : i32
            %dma_wait3A_229 = arith.constant 0 : i32
            %dma_wait3A_230 = tpu.memref_slice %arg4[%dma_wait3A_228, %dma_wait3A_229] : memref<16416x128xf32, #tpu.memory_space<hbm>> -> memref<16416x128xf32, #tpu.memory_space<hbm>>
            tpu.wait_indirect_dma semaphore(%arg14 : memref<!tpu.dma_semaphore, #tpu.memory_space<semaphore_mem>>) src(%arg10 : memref<96x128xf32, #tpu.memory_space<vmem>>) dst(%dma_wait3A_230 : memref<16416x128xf32, #tpu.memory_space<hbm>>)
            %swap3A_231 = arith.constant 0 : i32
            %swap3A_232 = arith.index_cast %swap3A_231 : i32 to index
            %swap3A_233 = arith.constant 0 : index
            %swap3A_234 = tpu.vector_load %arg11[%swap3A_232, %swap3A_233] {strides = array<i32>} : memref<1x96xi32, #tpu.memory_space<vmem>>, vector<16xi32>,
            tpu.vector_store %arg11[%swap3A_232, %swap3A_233], %broadcast_in_dim3A_15 {strides = array<i32>} : memref<1x96xi32, #tpu.memory_space<vmem>>, vector<16xi32>,
            %swap3A_235 = arith.constant 0 : i32
            %swap3A_236 = arith.index_cast %swap3A_235 : i32 to index
            %swap3A_237 = arith.constant 16 : index
            %swap3A_238 = tpu.vector_load %arg11[%swap3A_236, %swap3A_237] {strides = array<i32>} : memref<1x96xi32, #tpu.memory_space<vmem>>, vector<16xi32>,
            tpu.vector_store %arg11[%swap3A_236, %swap3A_237], %broadcast_in_dim3A_15 {strides = array<i32>} : memref<1x96xi32, #tpu.memory_space<vmem>>, vector<16xi32>,
            %swap3A_239 = arith.constant 0 : i32
            %swap3A_240 = arith.index_cast %swap3A_239 : i32 to index
            %swap3A_241 = arith.constant 32 : index
            %swap3A_242 = tpu.vector_load %arg11[%swap3A_240, %swap3A_241] {strides = array<i32>} : memref<1x96xi32, #tpu.memory_space<vmem>>, vector<16xi32>,
            tpu.vector_store %arg11[%swap3A_240, %swap3A_241], %broadcast_in_dim3A_15 {strides = array<i32>} : memref<1x96xi32, #tpu.memory_space<vmem>>, vector<16xi32>,
            %swap3A_243 = arith.constant 0 : i32
            %swap3A_244 = arith.index_cast %swap3A_243 : i32 to index
            %swap3A_245 = arith.constant 48 : index
            %swap3A_246 = tpu.vector_load %arg11[%swap3A_244, %swap3A_245] {strides = array<i32>} : memref<1x96xi32, #tpu.memory_space<vmem>>, vector<16xi32>,
            tpu.vector_store %arg11[%swap3A_244, %swap3A_245], %broadcast_in_dim3A_15 {strides = array<i32>} : memref<1x96xi32, #tpu.memory_space<vmem>>, vector<16xi32>,
            %swap3A_247 = arith.constant 0 : i32
            %swap3A_248 = arith.index_cast %swap3A_247 : i32 to index
            %swap3A_249 = arith.constant 64 : index
            %swap3A_250 = tpu.vector_load %arg11[%swap3A_248, %swap3A_249] {strides = array<i32>} : memref<1x96xi32, #tpu.memory_space<vmem>>, vector<16xi32>,
            tpu.vector_store %arg11[%swap3A_248, %swap3A_249], %broadcast_in_dim3A_15 {strides = array<i32>} : memref<1x96xi32, #tpu.memory_space<vmem>>, vector<16xi32>,
            %swap3A_251 = arith.constant 0 : i32
            %swap3A_252 = arith.index_cast %swap3A_251 : i32 to index
            %swap3A_253 = arith.constant 80 : index
            %swap3A_254 = tpu.vector_load %arg11[%swap3A_252, %swap3A_253] {strides = array<i32>} : memref<1x96xi32, #tpu.memory_space<vmem>>, vector<16xi32>,
            tpu.vector_store %arg11[%swap3A_252, %swap3A_253], %broadcast_in_dim3A_15 {strides = array<i32>} : memref<1x96xi32, #tpu.memory_space<vmem>>, vector<16xi32>,
          } else {
          }
          %jit3A = arith.constant 0 : i32
          %select_n3A = arith.select %ge3A_193, %jit3A, %while3A_192 : i32
          %mul3A_197 = arith.constant 16 : i32
          %mul3A_198 = arith.muli %while3A_191, %mul3A_197 : i32
          %get3A = arith.index_cast %mul3A_198 : i32 to index
          %get3A_199 = tpu.vector_load %arg7[%get3A] {strides = array<i32>} : memref<16640xi32, #tpu.memory_space<vmem>>, vector<16xi32>,
          %gather3A_200 = tpu.vector_load_idx %arg5[%get3A_199] : memref<16400xi32, #tpu.memory_space<vmem>>[vector<16xi32>], vector<16xi32>,
          %shift_right_logical3A = arith.constant 7 : i32
          %shift_right_logical3A_201 = vector.broadcast %shift_right_logical3A : i32 to vector<16xi32>
          %shift_right_logical3A_202 = arith.shrui %gather3A_200, %shift_right_logical3A_201 : vector<16xi32>
          %sub3A_203 = arith.subi %shift_right_logical3A_202, %broadcast_in_dim3A_161 : vector<16xi32>
          %ge3A_204 = arith.constant 0 : i32
          %ge3A_205 = vector.broadcast %ge3A_204 : i32 to vector<16xi32>
          %ge3A_206 = arith.cmpi sge, %sub3A_203, %ge3A_205 : vector<16xi32>
          %lt3A_207 = arith.constant 4 : i32
          %lt3A_208 = vector.broadcast %lt3A_207 : i32 to vector<16xi32>
          %lt3A_209 = arith.cmpi slt, %sub3A_203, %lt3A_208 : vector<16xi32>
          %and3A = arith.andi %ge3A_206, %lt3A_209 : vector<16xi1>
          %all_reduce_population_count3A = tpu.all_reduce %and3A {dim = 0 : i64, kind = #tpu.reduction_kind<sum>} : vector<16xi1> -> vector<16xi32>
          %slice3A_210 = vector.extract_strided_slice %all_reduce_population_count3A {offsets = [0], sizes = [1], strides = [1]} : vector<16xi32> to vector<1xi32>
          %squeeze3A_211 = vector.extract %slice3A_210[0] : i32 from vector<1xi32>
          %gt3A = arith.constant 0 : i32
          %gt3A_212 = arith.cmpi sgt, %squeeze3A_211, %gt3A : i32
          %convert_element_type3A_213 = arith.extui %gt3A_212 : i1 to i32
          %cond3A_214 = arith.constant 0 : i32
          %cond3A_215 = arith.cmpi ne, %convert_element_type3A_213, %cond3A_214 : i32
          %cond3A_216 = scf.if %cond3A_215 -> (i32) {
            %while3A_217:2 = scf.while (%while3A_218 = %and3A, %while3A_219 = %select_n3A) : (vector<16xi1>, i32) -> (vector<16xi1>, i32) {
              %all_reduce_population_count3A_220 = tpu.all_reduce %while3A_218 {dim = 0 : i64, kind = #tpu.reduction_kind<sum>} : vector<16xi1> -> vector<16xi32>
              %slice3A_221 = vector.extract_strided_slice %all_reduce_population_count3A_220 {offsets = [0], sizes = [1], strides = [1]} : vector<16xi32> to vector<1xi32>
              %squeeze3A_222 = vector.extract %slice3A_221[0] : i32 from vector<1xi32>
              %gt3A_223 = arith.constant 0 : i32
              %gt3A_224 = arith.cmpi sgt, %squeeze3A_222, %gt3A_223 : i32
              scf.condition(%gt3A_224) %while3A_218, %while3A_219 : vector<16xi1>, i32
            } do {
            ^bb0(%while3A_218: vector<16xi1>, %while3A_219: i32):
              %all_reduce_ffs3A = tpu.all_reduce %while3A_218 {dim = 0 : i64, kind = #tpu.reduction_kind<find_first_set>} : vector<16xi1> -> vector<16xi32>
              %mul3A_220 = arith.constant 16 : i32
              %mul3A_221 = arith.muli %while3A_191, %mul3A_220 : i32
              %broadcast_in_dim3A_222 = vector.broadcast %mul3A_221 : i32 to vector<16xi32>
              %add3A_223 = arith.addi %broadcast_in_dim3A_222, %all_reduce_ffs3A : vector<16xi32>
              %gather3A_224 = tpu.vector_load_idx %arg7[%add3A_223] : memref<16640xi32, #tpu.memory_space<vmem>>[vector<16xi32>], vector<16xi32>,
              %gather3A_225 = tpu.vector_load_idx %arg5[%gather3A_224] : memref<16400xi32, #tpu.memory_space<vmem>>[vector<16xi32>], vector<16xi32>,
              %shift_right_logical3A_226 = arith.constant 7 : i32
              %shift_right_logical3A_227 = vector.broadcast %shift_right_logical3A_226 : i32 to vector<16xi32>
              %shift_right_logical3A_228 = arith.shrui %gather3A_225, %shift_right_logical3A_227 : vector<16xi32>
              %sub3A_229 = arith.subi %shift_right_logical3A_228, %min3A_164 : vector<16xi32>
              %and3A_230 = arith.constant 127 : i32
              %and3A_231 = vector.broadcast %and3A_230 : i32 to vector<16xi32>
              %and3A_232 = arith.andi %gather3A_225, %and3A_231 : vector<16xi32>
              %mul3A_233 = arith.constant 128 : i32
              %mul3A_234 = vector.broadcast %mul3A_233 : i32 to vector<16xi32>
              %mul3A_235 = arith.muli %sub3A_229, %mul3A_234 : vector<16xi32>
              %add3A_236 = arith.addi %and3A_232, %mul3A_235 : vector<16xi32>
              %broadcast_in_dim3A_237 = vector.broadcast %while3A_219 : i32 to vector<16xi32>
              %broadcast_in_dim3A_238 = arith.constant 64 : i32
              %broadcast_in_dim3A_239 = vector.broadcast %broadcast_in_dim3A_238 : i32 to vector<16xi32>
              %add3A_240 = arith.addi %broadcast_in_dim3A_239, %iota3A : vector<16xi32>
              %gather3A_241 = tpu.vector_load_idx %arg9[%add3A_240, %add3A_236] : memref<128x512xf32, #tpu.memory_space<vmem>>[vector<16xi32>, vector<16xi32>], vector<16xf32>,
              %add3A_242 = arith.constant 0 : i32
              %add3A_243 = vector.broadcast %add3A_242 : i32 to vector<16xi32>
              %add3A_244 = arith.addi %iota3A, %add3A_243 : vector<16xi32>
              tpu.vector_store_idx %arg10[%broadcast_in_dim3A_237, %add3A_244], %gather3A_241 : memref<96x128xf32, #tpu.memory_space<vmem>>[vector<16xi32>, vector<16xi32>], vector<16xf32>,
              %broadcast_in_dim3A_245 = arith.constant 80 : i32
              %broadcast_in_dim3A_246 = vector.broadcast %broadcast_in_dim3A_245 : i32 to vector<16xi32>
              %add3A_247 = arith.addi %broadcast_in_dim3A_246, %iota3A : vector<16xi32>
              %gather3A_248 = tpu.vector_load_idx %arg9[%add3A_247, %add3A_236] : memref<128x512xf32, #tpu.memory_space<vmem>>[vector<16xi32>, vector<16xi32>], vector<16xf32>,
              %add3A_249 = arith.constant 16 : i32
              %add3A_250 = vector.broadcast %add3A_249 : i32 to vector<16xi32>
              %add3A_251 = arith.addi %iota3A, %add3A_250 : vector<16xi32>
              tpu.vector_store_idx %arg10[%broadcast_in_dim3A_237, %add3A_251], %gather3A_248 : memref<96x128xf32, #tpu.memory_space<vmem>>[vector<16xi32>, vector<16xi32>], vector<16xf32>,
              %broadcast_in_dim3A_252 = arith.constant 96 : i32
              %broadcast_in_dim3A_253 = vector.broadcast %broadcast_in_dim3A_252 : i32 to vector<16xi32>
              %add3A_254 = arith.addi %broadcast_in_dim3A_253, %iota3A : vector<16xi32>
              %gather3A_255 = tpu.vector_load_idx %arg9[%add3A_254, %add3A_236] : memref<128x512xf32, #tpu.memory_space<vmem>>[vector<16xi32>, vector<16xi32>], vector<16xf32>,
              %add3A_256 = arith.constant 32 : i32
              %add3A_257 = vector.broadcast %add3A_256 : i32 to vector<16xi32>
              %add3A_258 = arith.addi %iota3A, %add3A_257 : vector<16xi32>
              tpu.vector_store_idx %arg10[%broadcast_in_dim3A_237, %add3A_258], %gather3A_255 : memref<96x128xf32, #tpu.memory_space<vmem>>[vector<16xi32>, vector<16xi32>], vector<16xf32>,
              %broadcast_in_dim3A_259 = arith.constant 112 : i32
              %broadcast_in_dim3A_260 = vector.broadcast %broadcast_in_dim3A_259 : i32 to vector<16xi32>
              %add3A_261 = arith.addi %broadcast_in_dim3A_260, %iota3A : vector<16xi32>
              %gather3A_262 = tpu.vector_load_idx %arg9[%add3A_261, %add3A_236] : memref<128x512xf32, #tpu.memory_space<vmem>>[vector<16xi32>, vector<16xi32>], vector<16xf32>,
              %add3A_263 = arith.constant 48 : i32
              %add3A_264 = vector.broadcast %add3A_263 : i32 to vector<16xi32>
              %add3A_265 = arith.addi %iota3A, %add3A_264 : vector<16xi32>
              tpu.vector_store_idx %arg10[%broadcast_in_dim3A_237, %add3A_265], %gather3A_262 : memref<96x128xf32, #tpu.memory_space<vmem>>[vector<16xi32>, vector<16xi32>], vector<16xf32>,
              tpu.vector_store_idx %arg11[%broadcast_in_dim3A_1, %broadcast_in_dim3A_237], %gather3A_224 masked %eq3A_19 : memref<1x96xi32, #tpu.memory_space<vmem>>[vector<16xi32>, vector<16xi32>], vector<16xi32>, vector<16xi1>
              %ne3A = arith.cmpi ne, %iota3A, %all_reduce_ffs3A : vector<16xi32>
              %and3A_266 = arith.andi %while3A_218, %ne3A : vector<16xi1>
              %add3A_267 = arith.constant 1 : i32
              %add3A_268 = arith.addi %while3A_219, %add3A_267 : i32
              scf.yield %and3A_266, %add3A_268 : vector<16xi1>, i32
            }
            scf.yield %while3A_217#1 : i32
          } else {
            scf.yield %select_n3A : i32
          }
          scf.yield %cond3A_216 : i32
        }
        scf.yield %while3A_190 : i32
      } else {
        scf.yield %cond3A_130 : i32
      }
      scf.yield %cond3A_145 : i32
    }
    %dma_start3A_104 = arith.constant 0 : i32
    %dma_start3A_105 = arith.constant 0 : i32
    %dma_start3A_106 = tpu.memref_slice %arg11[%dma_start3A_104, %dma_start3A_105] : memref<1x96xi32, #tpu.memory_space<vmem>> -> memref<1x96xi32, #tpu.memory_space<vmem>>
    %dma_start3A_107 = tpu.memref_squeeze %dma_start3A_106 : memref<1x96xi32, #tpu.memory_space<vmem>> -> memref<96xi32, #tpu.memory_space<vmem>>
    %dma_start3A_108 = arith.constant 0 : i32
    %dma_start3A_109 = arith.constant 0 : i32
    %dma_start3A_110 = tpu.memref_slice %arg4[%dma_start3A_108, %dma_start3A_109] : memref<16416x128xf32, #tpu.memory_space<hbm>> -> memref<16416x128xf32, #tpu.memory_space<hbm>>
    tpu.enqueue_indirect_dma source(%arg10 : memref<96x128xf32, #tpu.memory_space<vmem>>) target(%dma_start3A_110 : memref<16416x128xf32, #tpu.memory_space<hbm>>) offsets(%dma_start3A_107 : memref<96xi32, #tpu.memory_space<vmem>>) semaphore(%arg14 : memref<!tpu.dma_semaphore, #tpu.memory_space<semaphore_mem>>)
    %dma_wait3A = arith.constant 0 : i32
    %dma_wait3A_111 = arith.constant 0 : i32
    %dma_wait3A_112 = tpu.memref_slice %arg11[%dma_wait3A, %dma_wait3A_111] : memref<1x96xi32, #tpu.memory_space<vmem>> -> memref<1x96xi32, #tpu.memory_space<vmem>>
    %dma_wait3A_113 = tpu.memref_squeeze %dma_wait3A_112 : memref<1x96xi32, #tpu.memory_space<vmem>> -> memref<96xi32, #tpu.memory_space<vmem>>
    %dma_wait3A_114 = arith.constant 0 : i32
    %dma_wait3A_115 = arith.constant 0 : i32
    %dma_wait3A_116 = tpu.memref_slice %arg4[%dma_wait3A_114, %dma_wait3A_115] : memref<16416x128xf32, #tpu.memory_space<hbm>> -> memref<16416x128xf32, #tpu.memory_space<hbm>>
    tpu.wait_indirect_dma semaphore(%arg14 : memref<!tpu.dma_semaphore, #tpu.memory_space<semaphore_mem>>) src(%arg10 : memref<96x128xf32, #tpu.memory_space<vmem>>) dst(%dma_wait3A_116 : memref<16416x128xf32, #tpu.memory_space<hbm>>)
    return
  }
}

</mosaic_0001>

<sc_bundles>
// kernel: kernel.3.cloned.1.call-start
scs
__scs_entry_jumppad:
0x0: {  	(pc) =	sbr.rel $0x88, $3  }
0x1: {  	(tag) =	ssettag $0x0;
	lr =	simm.s32 $0x1  }
0x2: {  	[smem:$0x3F9F] =	sst lr;
	_ =	strace $0xD0000000  }
0x3: {  	_ = 	snop  }
0x4: {  	_ = 	snop  }
0x5: {  	_ = 	snop  }
0x6: {  	_ = 	snop  }
0x7: {  	_ = 	snop  }
__scs_overlays_trampoline_lowered:
0x8: {  	[smem:$0x3FAE] =	sst s0  }
0x9: {  	[smem:$0x3FAF] =	sst s1  }
0xa: {  	[smem:$0x3FB0] =	sst s2  }
0xb: {  	[smem:$0x3FB1] =	sst s3  }
0xc: {  	[smem:$0x3FB2] =	sst s4  }
0xd: {  	[smem:$0x3FB3] =	sst s5  }
0xe: {  	[smem:$0x3FB4] =	sst s6  }
0xf: {  	[smem:$0x3FB5] =	sst s7  }
0x10: {  	[smem:$0x3FB6] =	sst s8  }
0x11: {  	[smem:$0x3FB7] =	sst s9;
	s0 =	simm.s32 @!p0 $0x0  }
0x12: {  	s1 =	sld [smem:$0x3F9D];
	s0 =	simm.s32 @p0 $0x1  }
0x13: {  	[smem:$0x3FB8] =	sst s0;
	s0 =	simm.s32 @!p1 $0x0  }
0x14: {  	s2 =	sld [smem:$0x3F9C];
	s0 =	simm.s32 @p1 $0x1  }
0x15: {  	[smem:$0x3FB9] =	sst s0;
	s0 =	simm.s32 @!p2 $0x0  }
0x16: {  	s3 =	sld [smem:$0x3FDB];
	s0 =	simm.s32 @p2 $0x1  }
0x17: {  	s4 =	simm.s32 $0x1BF5;
	[smem:$0x3FBB] =	sst s0  }
0x18: {  	s0 =	sld [smem:$0x3F9E];
	_ =	swait.ge [sflag:s4], $0x0  }
0x19: {  	s7 =	sld [smem:$0x3F9F]  }
0x1a: {  	s8 =	sadd.s32 $0xFFFFE003, lr  }
0x1b: {  	s9 =	sadd.s32 $0xFFFFFEF7, lr;
	s5 =	simm.s32 $0xFFFFFFFF;
	p2 =	slt.u32 s8, $0xFFFFF086  }
0x1c: {  	p1 =	slt.u32 s9, $0xF7A;
	s5 =	simm.s32 @!p2 $0x0  }
0x1d: {  	s5 =	simm.s32 @p1 $0x1;
	p0 =	seq.s32 s7, s2  }
0x1e: {  	s7 =	smul.u32 @!p0 $0xF7A, s2;
	p2 =	seq.s32 @!p0 s5, $0x0  }
0x1f: {  	s9 =	smul.u32 $0xF7A, s1;
	s8 =	simm.s32 @!p0 $0x1BF5;
	p2 =	por !p2, p0  }
0x20: {  	[sflag:s8] =	ssyncset.s32 @!p0 $0xFFFFF086;
	s6 =	sadd.s32 @!p0 s3, s7;
	s7 =	simm.s32 @!p0 $0x108  }
0x21: {  	s3 =	sadd.s32 s3, s9;
	s6 =	sadd.s32 @!p0 $0x88, s6;
	s7 =	simm.s32 @p2 $0x1082  }
0x22: {  	[simem:s7], [sflag:s8] =	dma.local @!p0 [hbm:s6], $0xF7A  }
0x23: {  	s9 =	sor.u32 $0xD0000000, s2;
	s6 =	simm.s32 $0x108;
	_ =	swait.ge @!p0 [sflag:s8], $0x0  }
0x24: {  	s3 =	sadd.s32 $0x88, s3;
	s6 =	simm.s32 @!p1 $0x1082;
	[sflag:s4] =	ssyncset.s32 $0xFFFFF086  }
0x25: {  	[simem:s6], [sflag:s4] =	dma.local [hbm:s3], $0xF7A  }
0x26: {  	[smem:$0x3F9F] =	sst s1;
	(tag) =	ssettag s2;
	_ =	strace s9  }
0x27: {  	s1 =	sld [smem:$0x3FAF]  }
0x28: {  	s2 =	sld [smem:$0x3FB0]  }
0x29: {  	s4 =	sld [smem:$0x3FB2]  }
0x2a: {  	p0 =	seq.s32 s5, $0x0;
	s5 =	sld [smem:$0x3FB3]  }
0x2b: {  	s6 =	sld [smem:$0x3FB4]  }
0x2c: {  	s7 =	sld [smem:$0x3FB5]  }
0x2d: {  	s3 =	simm.s32 $0x108;
	s8 =	sld [smem:$0x3FB6]  }
0x2e: {  	s3 =	simm.s32 @!p0 $0x1082;
	s9 =	sld [smem:$0x3FB7]  }
0x2f: {  	lr =	sadd.s32 s0, s3;
	s0 =	sld [smem:$0x3FAE]  }
0x30: {  	s3 =	sld [smem:$0x3FB1]  }
0x31: {  	[smem:$0x3FBA] =	sst s10  }
0x32: {  	s10 =	sld [smem:$0x3FB8];
	_ =	sdelay $0x3  }
0x33: {  	p0 =	seq.s32 s10, $0x1;
	s10 =	sld [smem:$0x3FBA];
	_ =	sdelay $0x3  }
0x34: {  	[smem:$0x3FBA] =	sst s10  }
0x35: {  	s10 =	sld [smem:$0x3FB9];
	_ =	sdelay $0x3  }
0x36: {  	p1 =	seq.s32 s10, $0x1;
	s10 =	sld [smem:$0x3FBA];
	_ =	sdelay $0x3  }
0x37: {  	[smem:$0x3FBA] =	sst s10  }
0x38: {  	s10 =	sld [smem:$0x3FBB]  }
0x39: {  	_ = 	snop;
	(pc) =	sbr.ind lr, $3  }
0x3a: {  	_ = 	snop  }
0x3b: {  	_ = 	snop  }
0x3c: {  	p2 =	seq.s32 s10, $0x1;
	s10 =	sld [smem:$0x3FBA]  }
0x3d: {  	_ =	shalt  }
0x3e: {  	_ =	shalt  }
0x3f: {  	_ =	shalt  }
0x40: {  	_ =	shalt  }
0x41: {  	_ =	shalt  }
0x42: {  	_ =	shalt  }
0x43: {  	_ =	shalt  }
0x44: {  	_ =	shalt  }
0x45: {  	_ =	shalt  }
0x46: {  	_ =	shalt  }
0x47: {  	_ =	shalt  }
0x48: {  	_ =	shalt  }
0x49: {  	_ =	shalt  }
0x4a: {  	_ =	shalt  }
0x4b: {  	_ =	shalt  }
0x4c: {  	_ =	shalt  }
0x4d: {  	_ =	shalt  }
0x4e: {  	_ =	shalt  }
0x4f: {  	_ =	shalt  }
0x50: {  	_ =	shalt  }
0x51: {  	_ =	shalt  }
0x52: {  	_ =	shalt  }
0x53: {  	_ =	shalt  }
0x54: {  	_ =	shalt  }
0x55: {  	_ =	shalt  }
0x56: {  	_ =	shalt  }
0x57: {  	_ =	shalt  }
0x58: {  	_ =	shalt  }
0x59: {  	_ =	shalt  }
0x5a: {  	_ =	shalt  }
0x5b: {  	_ =	shalt  }
0x5c: {  	_ =	shalt  }
0x5d: {  	_ =	shalt  }
0x5e: {  	_ =	shalt  }
0x5f: {  	_ =	shalt  }
0x60: {  	_ =	shalt  }
0x61: {  	_ =	shalt  }
0x62: {  	_ =	shalt  }
0x63: {  	_ =	shalt  }
0x64: {  	_ =	shalt  }
0x65: {  	_ =	shalt  }
0x66: {  	_ =	shalt  }
0x67: {  	_ =	shalt  }
0x68: {  	_ =	shalt  }
0x69: {  	_ =	shalt  }
0x6a: {  	_ =	shalt  }
0x6b: {  	_ =	shalt  }
0x6c: {  	_ =	shalt  }
0x6d: {  	_ =	shalt  }
0x6e: {  	_ =	shalt  }
0x6f: {  	_ =	shalt  }
0x70: {  	_ =	shalt  }
0x71: {  	_ =	shalt  }
0x72: {  	_ =	shalt  }
0x73: {  	_ =	shalt  }
0x74: {  	_ =	shalt  }
0x75: {  	_ =	shalt  }
0x76: {  	_ =	shalt  }
0x77: {  	_ =	shalt  }
0x78: {  	_ =	shalt  }
0x79: {  	_ =	shalt  }
0x7a: {  	_ =	shalt  }
0x7b: {  	_ =	shalt  }
0x7c: {  	_ =	shalt  }
0x7d: {  	_ =	shalt  }
0x7e: {  	_ =	shalt  }
0x7f: {  	_ =	shalt  }
0x80: {  	_ =	shalt  }
0x81: {  	_ =	shalt  }
0x82: {  	_ =	shalt  }
0x83: {  	_ =	shalt  }
0x84: {  	_ =	shalt  }
0x85: {  	_ =	shalt  }
0x86: {  	_ =	shalt  }
0x87: {  	_ =	shalt  }
.Lfunc_end0:
.L_simem_size_0:
called_computation_lowered:
.L_overlay_start_0:
0x88: {  	s2 =	sld [smem:$0x3FD9]  }
0x89: {  	s3 =	sld [smem:$0x3FFE];
	_ =	sdelay $0x1  }
0x8a: {  	s1 =	srdreg.scid  }
0x8b: {  	s0 =	sand.u32 $0x1, s1  }
0x8c: {  	s17 =	sshll.u32 s0, $0xA;
	s2 =	sadd.s32 s3, s2  }
0x8d: {  	s2 =	sadd.s32 s2, s17  }
0x8e: {  	[smem:$0x3FC6] =	sst s2  }
0x8f: {  	_ = 	snop  }
0x90: {  	s2 =	sld [smem:$0x3FC9]  }
0x91: {  	s18 =	sld [smem:$0x3FC8];
	(tm) =	ssettm $0x1  }
0x92: {  	s4 =	sld [smem:$0x3FFB];
	_ =	sdelay $0x3  }
0x93: {  	_ =	strace s4  }
0x94: {  	s4 =	sld [smem:$0x3FFC];
	_ =	sdelay $0x3  }
0x95: {  	_ =	strace s4  }
0x96: {  	s4 =	sld [smem:$0x3FFD];
	_ =	sdelay $0x3  }
0x97: {  	_ =	strace s4  }
0x98: {  	_ =	strace $0x8FFFFFFF  }
0x99: {  	s19 =	sld [smem:$0x3FDB];
	_ =	sdelay $0x1  }
0x9a: {  	s5 =	simm.s32 $_scs_section_size  }
0x9b: {  	s6 =	simm.s32 $_size__tile_overlayer_lowered;
	s7 =	simm.s32 $_tile_overlayer_lowered  }
0x9c: {  	s22 =	simm.s32 $0x1BFF;
	s21 =	sshll.u32 s7, $0x1;
	s4 =	sadd.s32 s5, s19  }
0x9d: {  	s8 =	simm.s32 $0x0;
	s20 =	sshll.u32 s6, $0x1;
	s6 =	sadd.s32 s21, s4  }
0x9e: {  	[timem:s8], [sflag:s22] =	dma.local [hbm:s6], s20  }
0x9f: {  	_ =	swait.ge [sflag:s22], s20  }
0xa0: {  	s5 =	ssub.s32 $0x0, s20;
	[sflag:s22] =	ssyncset.done $0x0  }
0xa1: {  	[sflag:s22] =	ssyncadd.s32 s5;
	_ =	sdelay $0x1  }
0xa2: {  	s23 =	simm.s32 $0x1B8B  }
0xa3: {  	_ =	swait.ge [sflag:s23], $0x1  }
0xa4: {  	[sflag:s23] =	ssyncset.done $0x0  }
0xa5: {  	s25 =	simm.s32 $0x1B8E;
	s24 =	sld [smem:$0x3FFE];
	[sflag:s23] =	ssyncadd.s32 $0xFFFFFFFF  }
0xa6: {  	s26 =	simm.s32 $execute0_lowered;
	[smem:$0x3FD2] =	sst s25  }
0xa7: {  	s6 =	sshll.u32 s26, $0x1;
	_ =	strace $0x80000046;
	[dreg:$0x1] =	wrdreg $0xFFFFFFFF  }
0xa8: {  	s28 =	simm.s32 $_size_execute0_lowered;
	s4 =	sadd.s32 s4, s6;
	[dreg:$0x0] =	wrdreg $0x0  }
0xa9: {  	s6 =	sshll.u32 s28, $0x1;
	[dreg:$0x2] =	wrdreg s4  }
0xaa: {  	[dreg:$0x3] =	wrdreg s6  }
0xab: {  	[dreg:$0x4] =	wrdreg $0xC0  }
0xac: {  	_ =	task [dreg:s8], $0x5FFFF  }
0xad: {  	[dreg:$0x1] =	wrdreg $0xFFFFFFFF  }
0xae: {  	[dreg:$0x0] =	wrdreg $0x60  }
0xaf: {  	[dreg:$0x2] =	wrdreg s18  }
0xb0: {  	[dreg:$0x3] =	wrdreg s2  }
0xb1: {  	[dreg:$0x4] =	wrdreg s24  }
0xb2: {  	[dreg:$0x5] =	wrdreg $0x9  }
0xb3: {  	_ =	task.clear_ibuf [dreg:s8], $0x6FFFF;
	_ =	strace $0x90000046  }
0xb4: {  	s29 =	simm.s32 $0x9;
	_ =	strace $0x80000048  }
0xb5: {  	_ =	swait.ge [sflag:s29], $0x1  }
0xb6: {  	[sflag:s29] =	ssyncadd.s32 $0xFFFFFFFF  }
0xb7: {  	_ =	strace $0x90000048  }
0xb8: {  	_ =	sfence  }
0xb9: {  	s30 =	sld [smem:$0x0];
	_ =	sdelay $0x2  }
0xba: {  	s31 =	sshll.u32 s1, $0xD;
	s1 =	sshrl.u32 s1, $0x2  }
0xbb: {  	s3 =	sand.u32 $0x4000, s31;
	s1 =	sadd.s32 s1, s30  }
0xbc: {  	s0 =	sor.u32 s3, s0;
	s1 =	sshll.u32 s1, $0x11  }
0xbd: {  	s0 =	sor.u32 s1, s0  }
0xbe: {  	s0 =	sadd.s32 $0x8F2B, s0  }
0xbf: {  	[sflag:s0] =	ssyncadd.remote.s32 $0x1  }
0xc0: {  	_ =	sfence.sel $0xFFFF  }
0xc1: {  	[dreg:$0x0] =	wrdreg $0xFFFFFFFF;
	(pc) =	sbr.abs _section_cstart, $3  }
0xc2: {  	[dreg:$0x1] =	wrdreg $0xFFFFFFFF  }
0xc3: {  	_ =	task.clear_ibuf [dreg:s8], $0x2FFFF;
	_ =	strace $0x9FFFFFFF  }
0xc4: {  	(tm) =	ssettm $0x7FFFFFFF  }
0xc5: {  	_ =	shalt  }
tec
execute0_lowered:
.L_overlay_start_1:
0x0: {  	(tag) =	ssettag $0x1  }
0x1: {  	v3 =	vimm.s32 $0x7F000000;
	v4 =	vlaneseq.u32;
	v5 =	vimm.s32 $0x4000  }
0x2: {  	v6 =	vimm.s32 $0x10;
	v7 =	vimm.s32 $0x1380;
	vm14 =	vcmask $0x300  }
0x3: {  	vm13 =	vcmask $0x704;
	v8 =	vimm.s32 $0x3380;
	vm12 =	vcmask $0xB08  }
0x4: {  	vm11 =	vcmask $0xF0C;
	vm10 =	vcmask $0x1310;
	vm9 =	vcmask $0x1714  }
0x5: {  	vm8 =	vcmask $0x1B18;
	vm7 =	vcmask $0x1F1C;
	vm6 =	vcmask $0x2320  }
0x6: {  	vm5 =	vcmask $0x2724;
	vm4 =	vcmask $0x2B28;
	vm3 =	vcmask $0x2F2C  }
0x7: {  	vm2 =	vcmask $0x3330;
	vm0 =	vcmask $0x3734;
	vm1 =	vcmask $0x3B38  }
0x8: {  	v10 =	vimm.s32 $0x5380;
	v11 =	vimm.s32 $0x7380;
	v12 =	vimm.s32 $0x9380  }
0x9: {  	v15 =	vimm.s32 $0xB380;
	v16 =	vimm.s32 $0xD380;
	v17 =	vimm.s32 $0xF380  }
0xa: {  	v7 =	vsel vm14, $0x0, v7;
	v8 =	vsel vm14, $0x2000, v8;
	v9 =	vor.u32 $0x10, v4  }
0xb: {  	v10 =	vsel vm14, $0x4000, v10;
	v11 =	vsel vm14, $0x6000, v11;
	v12 =	vsel vm14, $0x8000, v12  }
0xc: {  	v15 =	vsel vm14, $0xA000, v15;
	v16 =	vsel vm14, $0xC000, v16;
	v17 =	vsel vm14, $0xE000, v17  }
0xd: {  	s1 =	srdreg.scid;
	s0 =	stileid.u32;
	v7 =	vsel vm13, $0x80, v7;
	v8 =	vsel vm13, $0x2080, v8;
	v10 =	vsel vm13, $0x4080, v10  }
0xe: {  	s8 =	sand.u32 $0x1, s1;
	s28 =	sshll.u32 s0, $0x1;
	v11 =	vsel vm13, $0x6080, v11;
	v12 =	vsel vm13, $0x8080, v12;
	v15 =	vsel vm13, $0xA080, v15  }
0xf: {  	s4 =	sor.u32 s8, s28;
	v16 =	vsel vm13, $0xC080, v16;
	v17 =	vsel vm13, $0xE080, v17;
	v7 =	vsel vm12, $0x100, v7  }
0x10: {  	s1 =	smul.u32 $0xF5, s4;
	v8 =	vsel vm12, $0x2100, v8;
	v10 =	vsel vm12, $0x4100, v10;
	v11 =	vsel vm12, $0x6100, v11  }
0x11: {  	s2 =	smul.u32 $0x7A80, s4;
	s4 =	sor.u32 $0x4000, s4;
	v12 =	vsel vm12, $0x8100, v12;
	v15 =	vsel vm12, $0xA100, v15;
	v16 =	vsel vm12, $0xC100, v16  }
0x12: {  	v17 =	vsel vm12, $0xE100, v17;
	v2 =	vmov s4;
	v7 =	vsel vm11, $0x180, v7  }
0x13: {  	v8 =	vsel vm11, $0x2180, v8;
	v10 =	vsel vm11, $0x4180, v10;
	v11 =	vsel vm11, $0x6180, v11  }
0x14: {  	v12 =	vsel vm11, $0x8180, v12;
	v15 =	vsel vm11, $0xA180, v15;
	v16 =	vsel vm11, $0xC180, v16  }
0x15: {  	v17 =	vsel vm11, $0xE180, v17;
	v0 =	vmov s2;
	v7 =	vsel vm10, $0x200, v7  }
0x16: {  	v8 =	vsel vm10, $0x2200, v8;
	v10 =	vsel vm10, $0x4200, v10;
	v11 =	vsel vm10, $0x6200, v11  }
0x17: {  	v12 =	vsel vm10, $0x8200, v12;
	v15 =	vsel vm10, $0xA200, v15;
	v16 =	vsel vm10, $0xC200, v16  }
0x18: {  	v17 =	vsel vm10, $0xE200, v17;
	v7 =	vsel vm9, $0x280, v7;
	v8 =	vsel vm9, $0x2280, v8  }
0x19: {  	v10 =	vsel vm9, $0x4280, v10;
	v11 =	vsel vm9, $0x6280, v11;
	v12 =	vsel vm9, $0x8280, v12  }
0x1a: {  	s3 =	smin.u32 s1, $0x1D90;
	v15 =	vsel vm9, $0xA280, v15;
	v16 =	vsel vm9, $0xC280, v16;
	v17 =	vsel vm9, $0xE280, v17  }
0x1b: {  	s5 =	sshll.u32 s3, $0x7;
	v7 =	vsel vm8, $0x300, v7;
	v8 =	vsel vm8, $0x2300, v8;
	v10 =	vsel vm8, $0x4300, v10  }
0x1c: {  	s5 =	sadd.s32 $0x7A80, s5;
	v11 =	vsel vm8, $0x6300, v11;
	v12 =	vsel vm8, $0x8300, v12;
	v15 =	vsel vm8, $0xA300, v15  }
0x1d: {  	v16 =	vsel vm8, $0xC300, v16;
	v17 =	vsel vm8, $0xE300, v17;
	v1 =	vmov s5  }
0x1e: {  	v7 =	vsel vm7, $0x380, v7;
	v8 =	vsel vm7, $0x2380, v8;
	v10 =	vsel vm7, $0x4380, v10  }
0x1f: {  	v11 =	vsel vm7, $0x6380, v11;
	v12 =	vsel vm7, $0x8380, v12;
	v15 =	vsel vm7, $0xA380, v15  }
0x20: {  	v16 =	vsel vm7, $0xC380, v16;
	v17 =	vsel vm7, $0xE380, v17;
	v7 =	vsel vm6, $0x1000, v7  }
0x21: {  	v8 =	vsel vm6, $0x3000, v8;
	v10 =	vsel vm6, $0x5000, v10;
	v11 =	vsel vm6, $0x7000, v11  }
0x22: {  	v12 =	vsel vm6, $0x9000, v12;
	v15 =	vsel vm6, $0xB000, v15;
	v16 =	vsel vm6, $0xD000, v16  }
0x23: {  	v17 =	vsel vm6, $0xF000, v17;
	v7 =	vsel vm5, $0x1080, v7;
	v8 =	vsel vm5, $0x3080, v8  }
0x24: {  	v10 =	vsel vm5, $0x5080, v10;
	v11 =	vsel vm5, $0x7080, v11;
	v12 =	vsel vm5, $0x9080, v12  }
0x25: {  	s13 =	ssub.s32 s3, s1;
	v15 =	vsel vm5, $0xB080, v15;
	v16 =	vsel vm5, $0xD080, v16;
	v17 =	vsel vm5, $0xF080, v17  }
0x26: {  	s3 =	sadd.s32 $0xF8, s13;
	v7 =	vsel vm4, $0x1100, v7;
	v8 =	vsel vm4, $0x3100, v8;
	v10 =	vsel vm4, $0x5100, v10  }
0x27: {  	s29 =	sshll.u32 s3, $0x10;
	v11 =	vsel vm4, $0x7100, v11;
	v12 =	vsel vm4, $0x9100, v12;
	v15 =	vsel vm4, $0xB100, v15  }
0x28: {  	s10 =	rddreg [dreg:$0x2];
	s7 =	simm.s32 $0x0;
	s4 =	sshra.s32 s29, $0x1F;
	v16 =	vsel vm4, $0xD100, v16;
	v17 =	vsel vm4, $0xF100, v17;
	v7 =	vsel vm3, $0x1180, v7  }
0x29: {  	s14 =	simm.s32 $0x4;
	s15 =	simm.s32 $0x7A1400;
	s4 =	sand.u32 $0x3, s4;
	v8 =	vsel vm3, $0x3180, v8;
	v10 =	vsel vm3, $0x5180, v10;
	v11 =	vsel vm3, $0x7180, v11  }
0x2a: {  	s16 =	simm.s32 $0xC280;
	s17 =	simm.s32 $0x8100;
	s3 =	sadd.s32 s4, s3;
	v12 =	vsel vm3, $0x9180, v12;
	v15 =	vsel vm3, $0xB180, v15;
	v16 =	vsel vm3, $0xD180, v16  }
0x2b: {  	s18 =	simm.s32 $0x1C280;
	s19 =	simm.s32 $0x1F280;
	s4 =	sshll.u32 s3, $0x10;
	v17 =	vsel vm3, $0xF180, v17;
	v7 =	vsel vm2, $0x1200, v7;
	v8 =	vsel vm2, $0x3200, v8  }
0x2c: {  	s20 =	simm.s32 $0x60;
	s21 =	simm.s32 $0x3;
	v10 =	vsel vm2, $0x5200, v10;
	v13 =	vsel vm2, $0x7200, v11;
	v12 =	vsel vm2, $0x9200, v12;
	s4 =	sshra.s32 s4, $0x12  }
0x2d: {  	s22 =	simm.s32 $0x0;
	s12 =	ssub.s32 $0x2, s8;
	v11 =	vor.u32 $0x20, v4;
	v15 =	vsel vm2, $0xB200, v15;
	v16 =	vsel vm2, $0xD200, v16;
	s9 =	sadd.s32 $0x1, s4  }
0x2e: {  	[smem:$0x7FF] =	sst s7;
	s31 =	sshrl.u32 s12, $0x1;
	v17 =	vsel vm2, $0xF200, v17;
	v7 =	vsel vm0, $0x1280, v7;
	v8 =	vsel vm0, $0x3280, v8;
	s11 =	sand.u32 $0x8000, s9  }
.Ltmp0:
0x2f: {  	s3 =	rddreg [dreg:$0x0];
	v10 =	vsel vm0, $0x5280, v10;
	v13 =	vsel vm0, $0x7280, v13;
	v14 =	vsel vm0, $0x9280, v12;
	s11 =	sshrl.u32 s11, $0xF;
	(pc) =	sbr.rel .LBB2_1-.Ltmp0, $4  }
0x30: {  	_ =	strace $0x80000047;
	v15 =	vsel vm0, $0xB280, v15;
	v16 =	vsel vm0, $0xD280, v16;
	v17 =	vsel vm0, $0xF280, v17;
	s30 =	sadd.s32 s11, s9;
	s9 =	sadd.s32 $0x400, s10  }
0x31: {  	v7 =	vsel vm1, $0x1300, v7;
	v8 =	vsel vm1, $0x3300, v8;
	v10 =	vsel vm1, $0x5300, v10;
	s11 =	ssub.s32 s12, s31;
	s10 =	sadd.s32 s3, s2;
	s8 =	sshra.s32 s30, $0x1  }
0x32: {  	v12 =	vsel vm1, $0x7300, v13;
	v13 =	vor.u32 $0x30, v4;
	v14 =	vsel vm1, $0x9300, v14;
	s12 =	simm.s32 $0xC200;
	s11 =	smax.u32 s11, $0x1;
	p0 =	sgt.s32 s8, $0x1  }
0x33: {  	v15 =	vsel vm1, $0xB300, v15;
	v16 =	vsel vm1, $0xD300, v16;
	v17 =	vsel vm1, $0xF300, v17;
	s8 =	simm.s32 @!p0 $0x1;
	p0 =	slt.s32 s13, $0xFFFFFF0C;
	s13 =	simm.s32 $0x1000  }
.LBB2_28:
0x34: {  	s22 =	sadd.s32 $0x1, s22  }
0x35: {  	p1 =	sne.s32 s22, s11  }
.Ltmp1:
0x36: {  	_ = 	snop;
	(pc) =	sbr.rel @!p1 .LBB2_29-.Ltmp1, $4  }
0x37: {  	[hbm4b:s9+s20] =	stream.indirect.scatter [tilespmem:s18], [sflag:$0x3], $0x80, s19, s20, $0xb8;
	[tilespmem:$0x1F300] =	vst v63  }
0x38: {  	_ =	swait.ge [sflag:s21], $0x3000  }
0x39: {  	[sflag:s21] =	ssyncset.done $0x0  }
0x3a: {  	[sflag:s21] =	ssyncadd.s32 $0xFFFFD000  }
.LBB2_1:
0x3b: {  	s0 =	rddreg [dreg:$0x1]  }
0x3c: {  	[tilespmem:s7], [sflag:$0x4] =	stream.linear.gather [hbm4b:s0+s7], $0x4000, $0x38;
	[tilespmem:$0x1F300] =	vst v63  }
0x3d: {  	_ =	swait.ge [sflag:s14], $0x4000  }
0x3e: {  	[sflag:s14] =	ssyncset.done $0x0  }
0x3f: {  	[sflag:s14] =	ssyncadd.s32 $0xFFFFC000  }
0x40: {  	[tilespmem:$0x4000] =	vst v3  }
0x41: {  	v18 =	vld [tilespmem:s7+$0x0];
	_ =	sdelay $0x4  }
0x42: {  	vm0 =	vge.s32 v18, v0;
	vm1 =	vlt.s32 v18, v1  }
0x43: {  	vm0 =	vmand vm0, vm1  }
0x44: {  	v18 =	vmpcnt.ones.xlane vm0;
	_ =	sdelay $0x1  }
0x45: {  	(v2sf) =	vpush v18, $0x0;
	_ =	sdelay $0x4  }
0x46: {  	v19 =	vor.u32 s7, v4  }
0x47: {  	s23 =	simm.s32 $0x10;
	[tilespmem:s7+$0x4080] =	vst.msk vm0, v19  }
0x48: {  	s25 =	simm.s32 $0x20;
	s24 =	simm.s32 $0x0;
	s26 =	simm.s32 $0x10;
	v18 =	vld [tilespmem:s23+$0x0]  }
.LBB2_2:
0x49: {  	p1 =	sne.s32 s25, $0x3FF0;
	_ =	sdelay $0x3  }
0x4a: {  	vm0 =	vge.s32 v18, v0;
	vm1 =	vlt.s32 v18, v1  }
0x4b: {  	vm0 =	vmand vm0, vm1  }
0x4c: {  	v18 =	vmpcnt.ones.xlane vm0  }
0x4d: {  	s28 =	spop (v2sf)  }
0x4e: {  	v19 =	vor.u32 s23, v4;
	s23 =	smov.u32 s25;
	(v2sf) =	vpush v18, $0x0;
	s24 =	sadd.s32 s24, s28  }
0x4f: {  	[tilespmem:s24+$0x4080] =	vst.msk vm0, v19;
	_ =	sdelay $0x1  }
.Ltmp2:
0x50: {  	(pc) =	sbr.rel @p1 .LBB2_2-.Ltmp2, $3  }
0x51: {  	_ =	sdelay $0x1  }
0x52: {  	s26 =	sadd.s32 $0x10, s26  }
0x53: {  	s25 =	sadd.s32 $0x10, s25;
	v18 =	vld [tilespmem:s26+$0x0]  }
0x54: {  	_ =	sdelay $0x3  }
0x55: {  	vm0 =	vge.s32 v18, v0;
	vm1 =	vlt.s32 v18, v1  }
0x56: {  	vm0 =	vmand vm0, vm1  }
0x57: {  	v18 =	vmpcnt.ones.xlane vm0;
	_ =	sdelay $0x1  }
0x58: {  	(v2sf) =	vpush v18, $0x0;
	_ =	sdelay $0xd  }
0x59: {  	s25 =	spop (v2sf)  }
0x5a: {  	s24 =	sadd.s32 s24, s25;
	s30 =	spop (v2sf)  }
0x5b: {  	s25 =	sadd.s32 s24, s30  }
.Ltmp3:
0x5c: {  	s26 =	sadd.s32 $0xF, s25;
	(pc) =	sbr.rel .LBB2_4-.Ltmp3, $4  }
0x5d: {  	s28 =	sshra.s32 s26, $0x1F  }
0x5e: {  	v18 =	vor.u32 s23, v4;
	s28 =	sshrl.u32 s28, $0x1C  }
0x5f: {  	[tilespmem:s24+$0x4080] =	vst.msk vm0, v18;
	s24 =	simm.s32 $0x0;
	s31 =	sadd.s32 s28, s26  }
0x60: {  	[tilespmem:s25+$0x4080] =	vst v5;
	s25 =	simm.s32 $0x0;
	p1 =	slt.s32 s26, $0x10;
	s23 =	sshra.s32 s31, $0x4  }
.LBB2_6:
0x61: {  	s26 =	smov.u32 s24  }
.LBB2_10:
0x62: {  	_ =	sdelay $0x3  }
0x63: {  	v21 =	vld.idx.msk [tilespmem:v18+s7+$0x0], $0xffff;
	_ =	sdelay $0x4  }
0x64: {  	vm0 =	vge.s32 v21, v19;
	vm1 =	vlt.s32 v21, v20  }
0x65: {  	vm0 =	vmand vm0, vm1  }
0x66: {  	v19 =	vmpcnt.ones.xlane vm0;
	_ =	sdelay $0x1  }
0x67: {  	(v2sf) =	vpush v19, $0x0;
	_ =	sdelay $0xc  }
0x68: {  	s28 =	spop @p2 (v2sf)  }
0x69: {  	s26 =	sadd.s32 @p2 s26, s28  }
0x6a: {  	s24 =	smov.u32 @p2 s26;
	s31 =	spop (v2sf)  }
0x6b: {  	[tilespmem:s24+$0x8100] =	vst.msk vm0, v18;
	s24 =	sadd.s32 s24, s31  }
.LBB2_11:
0x6c: {  	s25 =	sadd.s32 $0x1, s25  }
0x6d: {  	p2 =	sne.s32 s25, $0x10  }
.Ltmp4:
0x6e: {  	_ = 	snop;
	(pc) =	sbr.rel @!p2 .LBB2_12-.Ltmp4, $3  }
0x6f: {  	_ =	sdelay $0x1  }
0x70: {  	s31 =	sadd.s32 $0xF, s24  }
0x71: {  	[tilespmem:s24+$0x8100] =	vst v5;
	s24 =	sand.u32 $0xFFFFFFF0, s31  }
.LBB2_4:
0x72: {  	v18 =	vmov s25  }
.Ltmp5:
0x73: {  	_ = 	snop;
	(pc) =	sbr.rel @p1 .LBB2_11-.Ltmp5, $3  }
0x74: {  	_ =	sdelay $0x1  }
0x75: {  	v19 =	vmov s24  }
0x76: {  	[tilespmem:v18+s12+$0x0] =	vst.idx.msk $0x1, v19  }
0x77: {  	p3 =	sne.s32 s23, $0x1  }
.Ltmp6:
0x78: {  	s29 =	simm.s32 $0x4080;
	(pc) =	sbr.rel @!p3 .LBB2_6-.Ltmp6, $4  }
0x79: {  	s26 =	sshll.u32 s25, $0xB;
	v18 =	vld [tilespmem:s29+$0x0]  }
0x7a: {  	s26 =	sadd.s32 s2, s26  }
0x7b: {  	s28 =	sadd.s32 $0x800, s26  }
0x7c: {  	p2 =	por $0x0, $0x0;
	v19 =	vmov s26;
	s26 =	sadd.s32 $0xFFFFFFFF, s23;
	v20 =	vmov s28  }
0x7d: {  	_ =	sdelay $0x4  }
0x7e: {  	v21 =	vld.idx.msk [tilespmem:v18+s7+$0x0], $0xffff;
	_ =	sdelay $0x4  }
0x7f: {  	vm0 =	vge.s32 v21, v19;
	vm1 =	vlt.s32 v21, v20  }
0x80: {  	p3 =	sne.s32 s26, $0x1;
	vm0 =	vmand vm0, vm1  }
.Ltmp7:
0x81: {  	s28 =	simm.s32 $0x4090;
	[tilespmem:s24+$0x8100] =	vst.msk vm0, v18;
	(pc) =	sbr.rel @!p3 .LBB2_8-.Ltmp7, $3  }
0x82: {  	v18 =	vld [tilespmem:s28+$0x0]  }
0x83: {  	v21 =	vmpcnt.ones.xlane vm0;
	_ =	sdelay $0x1  }
0x84: {  	s29 =	sadd.s32 $0xFFFFFFFF, s26;
	p2 =	por $0x1, $0x1;
	s26 =	smov.u32 s24;
	(v2sf) =	vpush v21, $0x0  }
.LBB2_9:
0x85: {  	p3 =	sne.s32 s29, $0x1;
	_ =	sdelay $0x6  }
0x86: {  	v21 =	vld.idx.msk [tilespmem:v18+s7+$0x0], $0xffff;
	_ =	sdelay $0x5  }
.Ltmp8:
0x87: {  	vm0 =	vge.s32 v21, v19;
	vm1 =	vlt.s32 v21, v20;
	(pc) =	sbr.rel @p3 .LBB2_9-.Ltmp8, $4  }
0x88: {  	vm0 =	vmand vm0, vm1;
	s30 =	spop (v2sf)  }
0x89: {  	v21 =	vmpcnt.ones.xlane vm0;
	s26 =	sadd.s32 s26, s30  }
0x8a: {  	s28 =	sadd.s32 $0x10, s28;
	[tilespmem:s26+$0x8100] =	vst.msk vm0, v18  }
0x8b: {  	s29 =	sadd.s32 $0xFFFFFFFF, s29;
	v18 =	vld [tilespmem:s28+$0x0];
	(v2sf) =	vpush v21, $0x0  }
.Ltmp9:
0x8c: {  	_ = 	snop;
	(pc) =	sbr.rel .LBB2_10-.Ltmp9, $1  }
0x8d: {  	_ =	sdelay $0x3  }
.LBB2_8:
.Ltmp10:
0x8e: {  	(pc) =	sbr.rel .LBB2_10-.Ltmp10, $2  }
0x8f: {  	_ =	sdelay $0x2  }
0x90: {  	s26 =	smov.u32 s24  }
.LBB2_12:
0x91: {  	_ =	sdelay $0x2  }
0x92: {  	v18 =	vmov s24  }
0x93: {  	[tilespmem:v6+s12+$0x0] =	vst.idx.msk $0x1, v18  }
0x94: {  	[tilespmem:$0x1F280] =	vst v2  }
0x95: {  	[tilespmem:$0x1F290] =	vst v2  }
.Ltmp11:
0x96: {  	[tilespmem:$0x1F2A0] =	vst v2;
	(pc) =	sbr.rel @p0 .LBB2_28-.Ltmp11, $4  }
.Ltmp12:
0x97: {  	[tilespmem:$0x1F2B0] =	vst v2;
	(pc) =	sbr.rel @!p0 .LBB2_13-.Ltmp12, $4  }
0x98: {  	[tilespmem:$0x1F2C0] =	vst v2  }
0x99: {  	s23 =	simm.s32 $0x0;
	s24 =	simm.s32 $0x0;
	[tilespmem:$0x1F2D0] =	vst v2  }
0x9a: {  	[tilespmem:s16], [sflag:$0x1] =	stream.strided.gather [hbm4b:s10+s13], $0x8000, s15, s13, $0x38;
	[tilespmem:$0x1F300] =	vst v63  }
0x9b: {  	_ = 	snop  }
.LBB2_21:
0x9c: {  	s23 =	smov.u32 @p1 s23  }
.LBB2_27:
0x9d: {  	s24 =	sadd.s32 $0x1, s24  }
0x9e: {  	p1 =	sne.s32 s24, s8  }
.Ltmp13:
0x9f: {  	_ = 	snop;
	(pc) =	sbr.rel @!p1 .LBB2_28-.Ltmp13, $1  }
0xa0: {  	_ =	sdelay $0x3  }
.LBB2_13:
0xa1: {  	s25 =	sshllo.u32 s24, $0x1  }
0xa2: {  	p1 =	sge.s32 s25, s4  }
0xa3: {  	s26 =	sshll.u32 @!p1 s25, $0x2  }
0xa4: {  	s25 =	sadd.s32 @!p1 s1, s26  }
0xa5: {  	s28 =	sshll.u32 s24, $0x1;
	p2 =	slt.s32 @!p1 s25, $0x1E81  }
0xa6: {  	p3 =	por !p2, p1;
	p2 =	sge.s32 s28, s4  }
0xa7: {  	s29 =	smov.u32 s25;
	s31 =	sshll.u32 @!p2 s24, $0x3  }
0xa8: {  	s29 =	simm.s32 @p3 $0x1E81;
	s30 =	sshra.s32 @!p2 s31, $0x1F  }
0xa9: {  	s6 =	simm.s32 @!p1 $0x1000;
	s29 =	sshll.u32 @!p1 s29, $0x7;
	s30 =	sshrl.u32 @!p2 s30, $0x1C  }
0xaa: {  	s0 =	simm.s32 @!p1 $0x7A1400;
	s29 =	sand.u32 @!p1 $0x1FFFFF80, s29;
	s30 =	sadd.s32 @!p2 s30, s31  }
0xab: {  	s5 =	simm.s32 @!p1 $0x14280;
	s29 =	sadd.s32 @!p1 s3, s29;
	s30 =	sshra.s32 @!p2 s30, $0x4  }
0xac: {  	[tilespmem:s5], [sflag:$0x2] =	stream.strided.gather @!p1 [hbm4b:s29+s6], $0x8000, s0, s6, $0x38;
	v18 =	vmov @!p2 s30;
	[tilespmem:$0x1F300] =	vst v63  }
0xad: {  	s0 =	simm.s32 @!p2 $0x1;
	v19 =	vadd.s32 @!p2 $0x1, v18  }
0xae: {  	_ =	swait.ge @!p2 [sflag:s0], $0x8000  }
0xaf: {  	[sflag:s0] =	ssyncset.done @!p2 $0x0  }
0xb0: {  	[sflag:s0] =	ssyncadd.s32 @!p2 $0xFFFF8000;
	s0 =	simm.s32 @!p2 $0xC200  }
0xb1: {  	v18 =	vld.idx.msk @!p2 [tilespmem:v18+s0+$0x0], $0xffff  }
0xb2: {  	v19 =	vld.idx.msk @!p2 [tilespmem:v19+s0+$0x0], $0xffff;
	_ =	sdelay $0x3  }
0xb3: {  	(v2sf) =	vpush @!p2 v18, $0x0  }
0xb4: {  	(v2sf) =	vpush @!p2 v19, $0x0;
	_ =	sdelay $0xd  }
0xb5: {  	s0 =	spop @!p2 (v2sf)  }
0xb6: {  	s5 =	spop @!p2 (v2sf)  }
0xb7: {  	s6 =	sshra.s32 @!p2 s0, $0x1F;
	s29 =	sshra.s32 @!p2 s5, $0x1F  }
0xb8: {  	s6 =	sshrl.u32 @!p2 s6, $0x1C;
	s29 =	sshrl.u32 @!p2 s29, $0x1C  }
0xb9: {  	s0 =	sadd.s32 @!p2 s6, s0;
	s5 =	sadd.s32 @!p2 s29, s5  }
0xba: {  	s29 =	sshra.s32 @!p2 s0, $0x4;
	s30 =	sshra.s32 @!p2 s5, $0x4  }
0xbb: {  	p3 =	sge.s32 @!p2 s29, s30  }
0xbc: {  	p3 =	por p2, p3  }
.Ltmp14:
0xbd: {  	_ = 	snop;
	(pc) =	sbr.rel @p3 .LBB2_14-.Ltmp14, $1  }
0xbe: {  	_ =	sdelay $0x3  }
.Ltmp15:
0xbf: {  	s0 =	sadd.s32 @!p2 s1, s31;
	(pc) =	sbr.rel .LBB2_16-.Ltmp15, $4  }
0xc0: {  	v18 =	vmov @!p2 s0  }
0xc1: {  	vm0 =	vlt.s32 v18, $0x1E81  }
0xc2: {  	v19 =	vnsel vm0, $0x1E81, v18  }
0xc3: {  	v19 =	vshll.u32 v19, $0xA  }
.LBB2_19:
0xc4: {  	s29 =	sadd.s32 $0x1, s29  }
0xc5: {  	p2 =	sne.s32 s29, s30  }
.Ltmp16:
0xc6: {  	_ = 	snop;
	(pc) =	sbr.rel @!p2 .LBB2_20-.Ltmp16, $1  }
0xc7: {  	_ =	sdelay $0x3  }
.LBB2_16:
0xc8: {  	p2 =	slt.s32 s23, $0x50  }
0xc9: {  	s0 =	simm.s32 @!p2 $0x60;
	s5 =	simm.s32 @!p2 $0x1F280;
	s6 =	simm.s32 @!p2 $0x1C280  }
0xca: {  	[hbm4b:s9+s0] =	stream.indirect.scatter @!p2 [tilespmem:s6], [sflag:$0x3], $0x80, s5, s0, $0xb8;
	[tilespmem:$0x1F300] =	vst v63  }
0xcb: {  	s0 =	simm.s32 @!p2 $0x3  }
0xcc: {  	_ =	swait.ge @!p2 [sflag:s0], $0x3000  }
0xcd: {  	[sflag:s0] =	ssyncset.done @!p2 $0x0  }
0xce: {  	[sflag:s0] =	ssyncadd.s32 @!p2 $0xFFFFD000  }
0xcf: {  	[tilespmem:$0x1F280] =	vst @!p2 v2  }
0xd0: {  	[tilespmem:$0x1F290] =	vst @!p2 v2  }
0xd1: {  	[tilespmem:$0x1F2A0] =	vst @!p2 v2  }
0xd2: {  	[tilespmem:$0x1F2B0] =	vst @!p2 v2  }
0xd3: {  	[tilespmem:$0x1F2C0] =	vst @!p2 v2  }
0xd4: {  	s31 =	sshll.u32 s29, $0x4;
	[tilespmem:$0x1F2D0] =	vst @!p2 v2  }
0xd5: {  	v20 =	vld [tilespmem:s31+$0x8100];
	_ =	sdelay $0x7  }
0xd6: {  	v20 =	vld.idx.msk [tilespmem:v20+s7+$0x0], $0xffff;
	_ =	sdelay $0x4  }
0xd7: {  	v20 =	vshrl.u32 v20, $0x7  }
0xd8: {  	v20 =	vsub.s32 v20, v18  }
0xd9: {  	vm0 =	vlt.u32 v20, $0x4  }
0xda: {  	v20 =	vmpcnt.ones.xlane vm0;
	_ =	sdelay $0x1  }
0xdb: {  	(v2sf) =	vpush v20, $0x0;
	_ =	sdelay $0xe  }
0xdc: {  	s6 =	spop (v2sf)  }
0xdd: {  	p3 =	slt.s32 s6, $0x1  }
.Ltmp17:
0xde: {  	_ = 	snop;
	(pc) =	sbr.rel @p3 .LBB2_19-.Ltmp17, $2  }
0xdf: {  	_ =	sdelay $0x2  }
0xe0: {  	s23 =	simm.s32 @!p2 $0x0  }
0xe1: {  	v20 =	vmov s31  }
.LBB2_18:
0xe2: {  	v21 =	vmctz.xlane vm0;
	_ =	sdelay $0x1  }
0xe3: {  	v22 =	vadd.s32 v20, v21;
	_ =	sdelay $0x4  }
0xe4: {  	v22 =	vld.idx.msk [tilespmem:v22+s17+$0x0], $0xffff;
	_ =	sdelay $0x7  }
0xe5: {  	v23 =	vld.idx.msk [tilespmem:v22+s7+$0x0], $0xffff;
	_ =	sdelay $0x4  }
0xe6: {  	v24 =	vshll.u32 v23, $0x3  }
0xe7: {  	v24 =	vsub.s32 v24, v19  }
0xe8: {  	v23 =	vand.u32 $0x7F, v23;
	v24 =	vand.u32 $0xFFFFFC00, v24  }
0xe9: {  	v23 =	vor.u32 v23, v24  }
0xea: {  	v24 =	vadd.s32 v7, v23;
	_ =	sdelay $0x2  }
0xeb: {  	v25 =	vmov s23  }
0xec: {  	v26 =	vshll.u32 v25, $0x7;
	vm1 =	vne.s32 v21, v4  }
0xed: {  	v27 =	vor.u32 v4, v26;
	vm0 =	vmand vm0, vm1;
	v24 =	vld.idx.msk [tilespmem:v24+s16+$0x0], $0xffff  }
0xee: {  	v21 =	vmpcnt.ones.xlane vm0;
	v28 =	vadd.s32 v8, v23;
	_ =	sdelay $0x1  }
0xef: {  	(v2sf) =	vpush v21, $0x0;
	_ =	sdelay $0x1  }
0xf0: {  	[tilespmem:v27+s18+$0x0] =	vst.idx.msk $0xffff, v24  }
0xf1: {  	v62 =	vor.u32 v9, v26;
	v24 =	vld.idx.msk [tilespmem:v28+s16+$0x0], $0xffff  }
0xf2: {  	v21 =	vadd.s32 v10, v23;
	_ =	sdelay $0x3  }
0xf3: {  	[tilespmem:v62+s18+$0x0] =	vst.idx.msk $0xffff, v24  }
0xf4: {  	v63 =	vor.u32 v11, v26;
	v21 =	vld.idx.msk [tilespmem:v21+s16+$0x0], $0xffff  }
0xf5: {  	v23 =	vadd.s32 v12, v23;
	_ =	sdelay $0x3  }
0xf6: {  	[tilespmem:v63+s18+$0x0] =	vst.idx.msk $0xffff, v21  }
0xf7: {  	s0 =	spop (v2sf);
	v21 =	vld.idx.msk [tilespmem:v23+s16+$0x0], $0xffff;
	v23 =	vor.u32 v13, v26  }
0xf8: {  	p2 =	sgt.s32 s0, $0x0  }
.Ltmp18:
0xf9: {  	_ = 	snop;
	(pc) =	sbr.rel @p2 .LBB2_18-.Ltmp18, $3  }
0xfa: {  	_ =	sdelay $0x1  }
0xfb: {  	[tilespmem:v23+s18+$0x0] =	vst.idx.msk $0xffff, v21  }
0xfc: {  	s23 =	sadd.s32 $0x1, s23;
	[tilespmem:v25+s19+$0x0] =	vst.idx.msk $0x1, v22  }
.Ltmp19:
0xfd: {  	_ = 	snop;
	(pc) =	sbr.rel .LBB2_19-.Ltmp19, $1  }
0xfe: {  	_ =	sdelay $0x3  }
.LBB2_14:
0xff: {  	s23 =	smov.u32 @p2 s23  }
.LBB2_20:
0x100: {  	s0 =	sadd.s32 $0x2, s28  }
0x101: {  	p2 =	sge.s32 s0, s4  }
0x102: {  	s0 =	sshll.u32 @!p2 s0, $0x2  }
0x103: {  	s0 =	sadd.s32 @!p2 s1, s0  }
0x104: {  	p3 =	slt.s32 @!p2 s0, $0x1E81  }
0x105: {  	p3 =	por !p3, p2  }
0x106: {  	s5 =	sshra.s32 @!p1 s26, $0x1F;
	s0 =	simm.s32 @p3 $0x1E81  }
0x107: {  	s5 =	sshrl.u32 @!p1 s5, $0x1C;
	s6 =	simm.s32 @!p2 $0x1000;
	s0 =	sshll.u32 @!p2 s0, $0x7  }
0x108: {  	s5 =	sadd.s32 @!p1 s5, s26;
	s26 =	simm.s32 @!p2 $0x7A1400;
	s0 =	sand.u32 @!p2 $0x1FFFFF80, s0  }
0x109: {  	s28 =	simm.s32 @!p2 $0xC280;
	s5 =	sshra.s32 @!p1 s5, $0x4;
	s0 =	sadd.s32 @!p2 s3, s0  }
0x10a: {  	v18 =	vmov @!p1 s5;
	[tilespmem:s28], [sflag:$0x1] =	stream.strided.gather @!p2 [hbm4b:s0+s6], $0x8000, s26, s6, $0x38;
	[tilespmem:$0x1F300] =	vst v63  }
0x10b: {  	v19 =	vadd.s32 @!p1 $0x1, v18;
	s0 =	simm.s32 @!p1 $0x2  }
0x10c: {  	_ =	swait.ge @!p1 [sflag:s0], $0x8000  }
0x10d: {  	[sflag:s0] =	ssyncset.done @!p1 $0x0  }
0x10e: {  	[sflag:s0] =	ssyncadd.s32 @!p1 $0xFFFF8000;
	s0 =	simm.s32 @!p1 $0xC200  }
0x10f: {  	v18 =	vld.idx.msk @!p1 [tilespmem:v18+s0+$0x0], $0xffff  }
0x110: {  	v19 =	vld.idx.msk @!p1 [tilespmem:v19+s0+$0x0], $0xffff;
	_ =	sdelay $0x3  }
0x111: {  	(v2sf) =	vpush @!p1 v18, $0x0  }
0x112: {  	(v2sf) =	vpush @!p1 v19, $0x0;
	_ =	sdelay $0xd  }
0x113: {  	s0 =	spop @!p1 (v2sf)  }
0x114: {  	s5 =	spop @!p1 (v2sf)  }
0x115: {  	s6 =	sshra.s32 @!p1 s0, $0x1F;
	s26 =	sshra.s32 @!p1 s5, $0x1F  }
0x116: {  	s6 =	sshrl.u32 @!p1 s6, $0x1C;
	s26 =	sshrl.u32 @!p1 s26, $0x1C  }
0x117: {  	s0 =	sadd.s32 @!p1 s6, s0;
	s5 =	sadd.s32 @!p1 s26, s5  }
0x118: {  	s26 =	sshra.s32 @!p1 s0, $0x4;
	s28 =	sshra.s32 @!p1 s5, $0x4  }
0x119: {  	p2 =	sge.s32 @!p1 s26, s28  }
0x11a: {  	p2 =	por p1, p2  }
.Ltmp20:
0x11b: {  	_ = 	snop;
	(pc) =	sbr.rel @p2 .LBB2_21-.Ltmp20, $1  }
0x11c: {  	_ =	sdelay $0x3  }
.Ltmp21:
0x11d: {  	(pc) =	sbr.rel .LBB2_23-.Ltmp21, $4  }
0x11e: {  	v18 =	vmov @!p1 s25  }
0x11f: {  	vm0 =	vlt.s32 v18, $0x1E81  }
0x120: {  	v19 =	vnsel vm0, $0x1E81, v18  }
0x121: {  	v19 =	vshll.u32 v19, $0xA  }
.LBB2_26:
0x122: {  	s26 =	sadd.s32 $0x1, s26  }
0x123: {  	p1 =	sne.s32 s26, s28  }
.Ltmp22:
0x124: {  	_ = 	snop;
	(pc) =	sbr.rel @!p1 .LBB2_27-.Ltmp22, $1  }
0x125: {  	_ =	sdelay $0x3  }
.LBB2_23:
0x126: {  	p1 =	slt.s32 s23, $0x50  }
0x127: {  	s0 =	simm.s32 @!p1 $0x60;
	s5 =	simm.s32 @!p1 $0x1F280;
	s6 =	simm.s32 @!p1 $0x1C280  }
0x128: {  	[hbm4b:s9+s0] =	stream.indirect.scatter @!p1 [tilespmem:s6], [sflag:$0x3], $0x80, s5, s0, $0xb8;
	[tilespmem:$0x1F300] =	vst v63  }
0x129: {  	s0 =	simm.s32 @!p1 $0x3  }
0x12a: {  	_ =	swait.ge @!p1 [sflag:s0], $0x3000  }
0x12b: {  	[sflag:s0] =	ssyncset.done @!p1 $0x0  }
0x12c: {  	[sflag:s0] =	ssyncadd.s32 @!p1 $0xFFFFD000  }
0x12d: {  	[tilespmem:$0x1F280] =	vst @!p1 v2  }
0x12e: {  	[tilespmem:$0x1F290] =	vst @!p1 v2  }
0x12f: {  	[tilespmem:$0x1F2A0] =	vst @!p1 v2  }
0x130: {  	[tilespmem:$0x1F2B0] =	vst @!p1 v2  }
0x131: {  	[tilespmem:$0x1F2C0] =	vst @!p1 v2  }
0x132: {  	s25 =	sshll.u32 s26, $0x4;
	[tilespmem:$0x1F2D0] =	vst @!p1 v2  }
0x133: {  	v20 =	vld [tilespmem:s25+$0x8100];
	_ =	sdelay $0x7  }
0x134: {  	v20 =	vld.idx.msk [tilespmem:v20+s7+$0x0], $0xffff;
	_ =	sdelay $0x4  }
0x135: {  	v20 =	vshrl.u32 v20, $0x7  }
0x136: {  	v20 =	vsub.s32 v20, v18  }
0x137: {  	vm0 =	vlt.u32 v20, $0x4  }
0x138: {  	v20 =	vmpcnt.ones.xlane vm0;
	_ =	sdelay $0x1  }
0x139: {  	(v2sf) =	vpush v20, $0x0;
	_ =	sdelay $0xe  }
0x13a: {  	s31 =	spop (v2sf)  }
0x13b: {  	p2 =	slt.s32 s31, $0x1  }
.Ltmp23:
0x13c: {  	_ = 	snop;
	(pc) =	sbr.rel @p2 .LBB2_26-.Ltmp23, $2  }
0x13d: {  	_ =	sdelay $0x2  }
0x13e: {  	s23 =	simm.s32 @!p1 $0x0  }
0x13f: {  	v20 =	vmov s25  }
.LBB2_25:
0x140: {  	v21 =	vmctz.xlane vm0;
	_ =	sdelay $0x1  }
0x141: {  	v22 =	vadd.s32 v20, v21;
	_ =	sdelay $0x4  }
0x142: {  	v22 =	vld.idx.msk [tilespmem:v22+s17+$0x0], $0xffff;
	_ =	sdelay $0x7  }
0x143: {  	v23 =	vld.idx.msk [tilespmem:v22+s7+$0x0], $0xffff;
	_ =	sdelay $0x4  }
0x144: {  	v24 =	vshll.u32 v23, $0x3  }
0x145: {  	v24 =	vsub.s32 v24, v19  }
0x146: {  	v23 =	vand.u32 $0x7F, v23;
	v24 =	vand.u32 $0xFFFFFC00, v24  }
0x147: {  	v23 =	vor.u32 v23, v24  }
0x148: {  	v24 =	vadd.s32 v14, v23;
	_ =	sdelay $0x2  }
0x149: {  	v25 =	vmov s23  }
0x14a: {  	v26 =	vshll.u32 v25, $0x7;
	vm1 =	vne.s32 v21, v4  }
0x14b: {  	v27 =	vor.u32 v4, v26;
	vm0 =	vmand vm0, vm1;
	v24 =	vld.idx.msk [tilespmem:v24+s16+$0x0], $0xffff  }
0x14c: {  	v21 =	vmpcnt.ones.xlane vm0;
	v28 =	vadd.s32 v15, v23;
	_ =	sdelay $0x1  }
0x14d: {  	(v2sf) =	vpush v21, $0x0;
	_ =	sdelay $0x1  }
0x14e: {  	[tilespmem:v27+s18+$0x0] =	vst.idx.msk $0xffff, v24  }
0x14f: {  	v62 =	vor.u32 v9, v26;
	v24 =	vld.idx.msk [tilespmem:v28+s16+$0x0], $0xffff  }
0x150: {  	v21 =	vadd.s32 v16, v23;
	_ =	sdelay $0x3  }
0x151: {  	[tilespmem:v62+s18+$0x0] =	vst.idx.msk $0xffff, v24  }
0x152: {  	v63 =	vor.u32 v11, v26;
	v21 =	vld.idx.msk [tilespmem:v21+s16+$0x0], $0xffff  }
0x153: {  	v23 =	vadd.s32 v17, v23;
	_ =	sdelay $0x3  }
0x154: {  	[tilespmem:v63+s18+$0x0] =	vst.idx.msk $0xffff, v21  }
0x155: {  	s0 =	spop (v2sf);
	v21 =	vld.idx.msk [tilespmem:v23+s16+$0x0], $0xffff;
	v23 =	vor.u32 v13, v26  }
0x156: {  	p1 =	sgt.s32 s0, $0x0  }
.Ltmp24:
0x157: {  	_ = 	snop;
	(pc) =	sbr.rel @p1 .LBB2_25-.Ltmp24, $3  }
0x158: {  	_ =	sdelay $0x1  }
0x159: {  	[tilespmem:v23+s18+$0x0] =	vst.idx.msk $0xffff, v21  }
0x15a: {  	s23 =	sadd.s32 $0x1, s23;
	[tilespmem:v25+s19+$0x0] =	vst.idx.msk $0x1, v22  }
.Ltmp25:
0x15b: {  	_ = 	snop;
	(pc) =	sbr.rel .LBB2_26-.Ltmp25, $1  }
0x15c: {  	_ =	sdelay $0x3  }
.LBB2_29:
0x15d: {  	_ =	sfence.sel $0x180000  }
0x15e: {  	[bflag:$0x0] =	sbarrier.arrive $0xFFFF  }
0x15f: {  	_ =	strace $0x90000047  }
0x160: {  	s0 =	stileid.u32;
	[bflag:$0x2] =	sbarrier.arrive $0xFFFF  }
0x161: {  	p0 =	sne.s32 s0, $0x0;
	s0 =	rddreg [dreg:$0x3]  }
0x162: {  	s0 =	sadd.s32 @!p0 $0x100000, s0  }
0x163: {  	[sflag:s0] =	ssyncadd.tile.s32 @!p0 $0x1;
	_ =	shalt  }
.Lfunc_end2:
_tile_overlayer_lowered:
.L_overlay_start_2:
0x164: {  	(tag) =	ssettag $0x2  }
0x165: {  	s0 =	rddreg [dreg:$0x0];
	s2 =	stileid.u32  }
0x166: {  	s1 =	rddreg [dreg:$0x1];
	p0 =	sne.s32 s2, $0x0  }
0x167: {  	s3 =	rddreg [dreg:$0x2];
	[bflag:$0x3] =	sbarrier.arrive $0xFFFF;
	s2 =	simm.s32 @!p0 $0x1C04  }
0x168: {  	[timem:s3], [sflag:s2] =	dma.local @!p0 [hbm:s0], s1  }
0x169: {  	s0 =	simm.s32 @!p0 $0x4  }
0x16a: {  	_ =	swait.ge @!p0 [sflag:s0], s1  }
0x16b: {  	s1 =	ssub.s32 @!p0 $0x0, s1;
	[sflag:s0] =	ssyncset.done @!p0 $0x0  }
0x16c: {  	[sflag:s0] =	ssyncadd.s32 @!p0 s1  }
0x16d: {  	[bflag:$0x3] =	sbarrier.arrive $0xFFFF  }
0x16e: {  	_ =	shalt  }

</sc_bundles>
